<compile_context>
chip_gen: v7x
topology: tpu7x:2x2x1
jax: 0.10.2.dev20260603
libtpu: 0.0.44.dev20260713+nightly
codegen_flags: <defaults>
</compile_context>

<pallas_src>
import jax
import jax.numpy as jnp
from jax import lax
from jax.experimental import pallas as pl
from jax.experimental.pallas import tpu as pltpu
from jax.experimental.pallas import tpu_sc as plsc

N, E, F = 10000, 320000, 128

NC, NS = 2, 16
NW = NC * NS
EPW = E // NW
CH = 40
NCH = EPW // CH
D = 2
LEAD = 1
SLACK = D - LEAD
RPS = 624
TAIL = N - RPS * NS


def _xt_body(x_ref, w_ref, o_ref):
    o_ref[...] = jnp.dot(x_ref[...], w_ref[...],
                         preferred_element_type=jnp.float32)


def _ew_body(ea_ref, we_ref, be_ref, o_ref):
    z = lax.dot_general(ea_ref[...], we_ref[...], (((0,), (0,)), ((), ())),
                        preferred_element_type=jnp.float32)
    o_ref[...] = jax.nn.sigmoid(z + be_ref[...])


def _combine_body(p_ref, b_ref, o_ref):
    o_ref[...] = p_ref[0] + p_ref[1] + b_ref[...]


def _sc_body(xt, ew, src3, dst3, outp,
             idxs, idxd, rows, ewb, acc, gsem, esem, ssem):
    c = lax.axis_index("c")
    s = lax.axis_index("s")
    w = c * NS + s

    def zb_body(i, _):
        for j in range(F // 16):
            rows[0, i, pl.ds(j * 16, 16)] = jnp.zeros((16,), jnp.float32)
        return 0
    lax.fori_loop(0, CH, zb_body, 0)
    for k in range(RPS // CH):
        pltpu.sync_copy(rows.at[0], acc.at[pl.ds(s * RPS + k * CH, CH)])
    rem = RPS - (RPS // CH) * CH
    pltpu.sync_copy(rows.at[0, pl.ds(0, rem)],
                    acc.at[pl.ds(s * RPS + (RPS // CH) * CH, rem)])

    @pl.when(s == NS - 1)
    def _zero_tail():
        pltpu.sync_copy(rows.at[0, pl.ds(0, TAIL)],
                        acc.at[pl.ds(RPS * NS, TAIL)])

    pltpu.sync_copy(src3.at[w], idxs)
    pltpu.sync_copy(dst3.at[w], idxd)
    plsc.subcore_barrier()

    def fire_fetch(i, b):
        pltpu.async_copy(xt.at[idxs.at[pl.ds(i * CH, CH)]],
                         rows.at[b], gsem.at[b])
        pltpu.async_copy(ew.at[pl.ds((w * NCH + i) * CH * F, CH * F)],
                         ewb.at[pl.ds(b * CH * F, CH * F)], esem.at[b])

    for i in range(LEAD):
        fire_fetch(i, i)

    def outer(i0, _):
        for k in range(D):
            i = i0 * D + k
            bq = (k + LEAD) % D

            def drain():
                pltpu.make_async_copy(rows.at[bq],
                                      acc.at[idxd.at[pl.ds((i - SLACK) * CH,
                                                           CH)]],
                                      ssem.at[bq]).wait()
            if k >= SLACK:
                drain()
            else:
                pl.when(i0 >= 1)(drain)

            if k < D - LEAD:
                fire_fetch(i + LEAD, bq)
            else:
                @pl.when(i0 < NCH // D - 1)
                def _pf():
                    fire_fetch(i + LEAD, bq)

            pltpu.make_async_copy(xt.at[idxs.at[pl.ds(i * CH, CH)]],
                                  rows.at[k], gsem.at[k]).wait()
            pltpu.make_async_copy(ew.at[pl.ds((w * NCH + i) * CH * F, CH * F)],
                                  ewb.at[pl.ds(k * CH * F, CH * F)],
                                  esem.at[k]).wait()

            def mul(e, _):
                base = k * CH * F + e * F
                for g in range(F // 16):
                    sl = pl.ds(g * 16, 16)
                    rows[k, e, sl] = rows[k, e, sl] * ewb[pl.ds(base + g * 16,
                                                               16)]
                return 0
            lax.fori_loop(0, CH, mul, 0)
            pltpu.async_copy(rows.at[k],
                             acc.at[idxd.at[pl.ds(i * CH, CH)]], ssem.at[k],
                             add=True)
        return 0
    lax.fori_loop(0, NCH // D, outer, 0)

    for i in range(NCH - SLACK, NCH):
        b = i % D
        pltpu.make_async_copy(rows.at[b],
                              acc.at[idxd.at[pl.ds(i * CH, CH)]],
                              ssem.at[b]).wait()
    plsc.subcore_barrier()

    pltpu.sync_copy(acc.at[pl.ds(s * RPS, RPS)],
                    outp.at[c, pl.ds(s * RPS, RPS)])

    @pl.when(s == NS - 1)
    def _copy_tail():
        pltpu.sync_copy(acc.at[pl.ds(RPS * NS, TAIL)],
                        outp.at[c, pl.ds(RPS * NS, TAIL)])


def kernel(x, edge_index, edge_attr, W, We, be, bias):
    xt = pl.pallas_call(
        _xt_body,
        grid=(10,),
        in_specs=[pl.BlockSpec((N // 10, F), lambda i: (i, 0)),
                  pl.BlockSpec((F, F), lambda i: (0, 0))],
        out_specs=pl.BlockSpec((N // 10, F), lambda i: (i, 0)),
        out_shape=jax.ShapeDtypeStruct((N, F), jnp.float32),
    )(x, W)

    EB = 3200
    ew = pl.pallas_call(
        _ew_body,
        grid=(E // EB,),
        in_specs=[pl.BlockSpec((4, EB), lambda i: (0, i)),
                  pl.BlockSpec((4, F), lambda i: (0, 0)),
                  pl.BlockSpec((1, F), lambda i: (0, 0))],
        out_specs=pl.BlockSpec((EB, F), lambda i: (i, 0)),
        out_shape=jax.ShapeDtypeStruct((E, F), jnp.float32),
    )(edge_attr.T, We, be.reshape(1, F))

    mesh = plsc.VectorSubcoreMesh(core_axis_name="c", subcore_axis_name="s",
                                  num_cores=NC, num_subcores=NS)
    partial = pl.kernel(
        _sc_body,
        out_type=jax.ShapeDtypeStruct((NC, N, F), jnp.float32),
        mesh=mesh,
        scratch_types=[
            pltpu.VMEM((EPW,), jnp.int32),
            pltpu.VMEM((EPW,), jnp.int32),
            pltpu.VMEM((D, CH, F), jnp.float32),
            pltpu.VMEM((D * CH * F,), jnp.float32),
            pltpu.VMEM_SHARED((N, F), jnp.float32),
            pltpu.SemaphoreType.DMA((D,)),
            pltpu.SemaphoreType.DMA((D,)),
            pltpu.SemaphoreType.DMA((D,)),
        ],
    )(xt, ew.reshape(E * F), edge_index[0].reshape(NW, EPW),
      edge_index[1].reshape(NW, EPW))

    NB = 1000
    out = pl.pallas_call(
        _combine_body,
        grid=(N // NB,),
        in_specs=[pl.BlockSpec((NC, NB, F), lambda i: (0, i, 0)),
                  pl.BlockSpec((1, F), lambda i: (0, 0))],
        out_specs=pl.BlockSpec((NB, F), lambda i: (i, 0)),
        out_shape=jax.ShapeDtypeStruct((N, F), jnp.float32),
    )(partial, bias.reshape(1, F))
    return out

# --- scband reference (transcript-rebuilt; emitter-appended) ---
"""Pipeline reference for scband-crystal-graph-conv-15865609191625 (READ-ONLY COPY).

The authoritative reference and input builder live on the scoring server;
editing this copy changes nothing except your own understanding.
"""

import jax, jax.numpy as jnp
import numpy as np

N, E, F_IN, F_OUT, D_E = 10000, 320000, 128, 128, 4

def setup_inputs(seed: int = 0) -> dict:
    key = jax.random.key(seed)
    ks = jax.random.split(key, 7)
    x = jax.random.normal(ks[0], (N, F_IN), dtype=jnp.float32)
    edge_index = jax.random.randint(ks[1], (2, E), 0, N, dtype=jnp.int32)
    edge_attr = jax.random.uniform(ks[2], (E, D_E), dtype=jnp.float32)
    # xavier_uniform for main weight [F_IN, F_OUT]
    limit = float(np.sqrt(6.0 / (F_IN + F_OUT)))
    W = jax.random.uniform(ks[3], (F_IN, F_OUT), minval=-limit, maxval=limit, dtype=jnp.float32)
    # edge_weight_net Linear(edge_dim -> out_features): kaiming-uniform-ish init
    lim_e = float(np.sqrt(1.0 / D_E))
    We = jax.random.uniform(ks[4], (D_E, F_OUT), minval=-lim_e, maxval=lim_e, dtype=jnp.float32)
    be = jax.random.uniform(ks[5], (F_OUT,), minval=-lim_e, maxval=lim_e, dtype=jnp.float32)
    bias = jnp.zeros((F_OUT,), dtype=jnp.float32)
    return {"x": x, "edge_index": edge_index, "edge_attr": edge_attr, "W": W, "We": We, "be": be, "bias": bias}

def reference(x, edge_index, edge_attr, W, We, be, bias):
    # h_i^(l+1) = sum_{j in N(i)} (h_j W) * sigmoid(Linear(d_ij)) + b
    x_transformed = x @ W  # [N, F_OUT]
    edge_weights = jax.nn.sigmoid(edge_attr @ We + be)  # [E, F_OUT]
    src = edge_index[0]
    dst = edge_index[1]
    msgs = x_transformed[src] * edge_weights  # gather + elementwise
    out = jnp.zeros((x.shape[0], W.shape[1]), dtype=x.dtype).at[dst].add(msgs)  # scatter-add
    out = out + bias
    return out

if __name__ == "__main__":
    import jax
    _d = setup_inputs()
    print(jax.jit(kernel)(*tuple(_d.values())))

</pallas_src>

<mosaic_0001>
#map = affine_map<(d0, d1) -> (0, 0)>
#map1 = affine_map<(d0, d1) -> (0)>
#map2 = affine_map<(d0, d1) -> (0, 0, 0)>
module attributes {stable_mosaic.version = 14 : i64} {
  func.func @_sc_body(%arg0: i32, %arg1: i32, %arg2: memref<10000x128xf32, #tpu.memory_space<hbm>>, %arg3: memref<40960000xf32, #tpu.memory_space<hbm>>, %arg4: memref<32x10000xi32, #tpu.memory_space<hbm>>, %arg5: memref<32x10000xi32, #tpu.memory_space<hbm>>, %arg6: memref<2x10000x128xf32, #tpu.memory_space<hbm>>, %arg7: memref<10000xi32, #tpu.memory_space<vmem>>, %arg8: memref<10000xi32, #tpu.memory_space<vmem>>, %arg9: memref<2x40x128xf32, #tpu.memory_space<vmem>>, %arg10: memref<10240xf32, #tpu.memory_space<vmem>>, %arg11: memref<10000x128xf32, #tpu.memory_space<vmem_shared>>, %arg12: memref<2x!tpu.dma_semaphore, #tpu.memory_space<semaphore_mem>>, %arg13: memref<2x!tpu.dma_semaphore, #tpu.memory_space<semaphore_mem>>, %arg14: memref<2x!tpu.dma_semaphore, #tpu.memory_space<semaphore_mem>>) attributes {dimension_semantics = [#tpu.dimension_semantics<core_parallel>, #tpu.dimension_semantics<subcore_parallel>], iteration_bounds = array<i64: 2, 16>, scalar_prefetch = 0 : i64, scratch_operands = 8 : i64, tpu.core_type = #tpu.core_type<sc_vector_subcore>, window_params = [{transform_indices = #map}, {transform_indices = #map1}, {transform_indices = #map}, {transform_indices = #map}, {transform_indices = #map2}]} {
    %mul3A = arith.constant 16 : i32
    %mul3A_0 = arith.muli %arg0, %mul3A : i32
    %add3A = arith.addi %mul3A_0, %arg1 : i32
    %scan3A = arith.constant 0 : i32
    %scan3A_1 = arith.constant 0 : i32
    %scan3A_2 = arith.constant 40 : i32
    %scan3A_3 = arith.addi %scan3A_1, %scan3A_2 : i32
    %scan3A_4 = arith.constant 1 : i32
    %scan3A_5 = scf.for %scan3A_146 = %scan3A_1 to %scan3A_3 step %scan3A_4 iter_args(%scan3A_147 = %scan3A) -> (i32)  : i32 {
      %broadcast_in_dim3A = arith.constant 0.000000e+00 : f32
      %broadcast_in_dim3A_148 = vector.broadcast %broadcast_in_dim3A : f32 to vector<16xf32>
      %swap3A = arith.constant 0 : i32
      %swap3A_149 = arith.index_cast %swap3A : i32 to index
      %swap3A_150 = arith.index_cast %scan3A_146 : i32 to index
      %swap3A_151 = arith.constant 0 : index
      %swap3A_152 = tpu.vector_load %arg9[%swap3A_149, %swap3A_150, %swap3A_151] {strides = array<i32>} : memref<2x40x128xf32, #tpu.memory_space<vmem>>, vector<1x1x16xf32>,
      %swap3A_153 = vector.shape_cast %swap3A_152 : vector<1x1x16xf32> to vector<16xf32>
      %swap3A_154 = vector.shape_cast %broadcast_in_dim3A_148 : vector<16xf32> to vector<1x1x16xf32>
      tpu.vector_store %arg9[%swap3A_149, %swap3A_150, %swap3A_151], %swap3A_154 {strides = array<i32>} : memref<2x40x128xf32, #tpu.memory_space<vmem>>, vector<1x1x16xf32>,
      %broadcast_in_dim3A_155 = arith.constant 0.000000e+00 : f32
      %broadcast_in_dim3A_156 = vector.broadcast %broadcast_in_dim3A_155 : f32 to vector<16xf32>
      %swap3A_157 = arith.constant 0 : i32
      %swap3A_158 = arith.index_cast %swap3A_157 : i32 to index
      %swap3A_159 = arith.index_cast %scan3A_146 : i32 to index
      %swap3A_160 = arith.constant 16 : index
      %swap3A_161 = tpu.vector_load %arg9[%swap3A_158, %swap3A_159, %swap3A_160] {strides = array<i32>} : memref<2x40x128xf32, #tpu.memory_space<vmem>>, vector<1x1x16xf32>,
      %swap3A_162 = vector.shape_cast %swap3A_161 : vector<1x1x16xf32> to vector<16xf32>
      %swap3A_163 = vector.shape_cast %broadcast_in_dim3A_156 : vector<16xf32> to vector<1x1x16xf32>
      tpu.vector_store %arg9[%swap3A_158, %swap3A_159, %swap3A_160], %swap3A_163 {strides = array<i32>} : memref<2x40x128xf32, #tpu.memory_space<vmem>>, vector<1x1x16xf32>,
      %broadcast_in_dim3A_164 = arith.constant 0.000000e+00 : f32
      %broadcast_in_dim3A_165 = vector.broadcast %broadcast_in_dim3A_164 : f32 to vector<16xf32>
      %swap3A_166 = arith.constant 0 : i32
      %swap3A_167 = arith.index_cast %swap3A_166 : i32 to index
      %swap3A_168 = arith.index_cast %scan3A_146 : i32 to index
      %swap3A_169 = arith.constant 32 : index
      %swap3A_170 = tpu.vector_load %arg9[%swap3A_167, %swap3A_168, %swap3A_169] {strides = array<i32>} : memref<2x40x128xf32, #tpu.memory_space<vmem>>, vector<1x1x16xf32>,
      %swap3A_171 = vector.shape_cast %swap3A_170 : vector<1x1x16xf32> to vector<16xf32>
      %swap3A_172 = vector.shape_cast %broadcast_in_dim3A_165 : vector<16xf32> to vector<1x1x16xf32>
      tpu.vector_store %arg9[%swap3A_167, %swap3A_168, %swap3A_169], %swap3A_172 {strides = array<i32>} : memref<2x40x128xf32, #tpu.memory_space<vmem>>, vector<1x1x16xf32>,
      %broadcast_in_dim3A_173 = arith.constant 0.000000e+00 : f32
      %broadcast_in_dim3A_174 = vector.broadcast %broadcast_in_dim3A_173 : f32 to vector<16xf32>
      %swap3A_175 = arith.constant 0 : i32
      %swap3A_176 = arith.index_cast %swap3A_175 : i32 to index
      %swap3A_177 = arith.index_cast %scan3A_146 : i32 to index
      %swap3A_178 = arith.constant 48 : index
      %swap3A_179 = tpu.vector_load %arg9[%swap3A_176, %swap3A_177, %swap3A_178] {strides = array<i32>} : memref<2x40x128xf32, #tpu.memory_space<vmem>>, vector<1x1x16xf32>,
      %swap3A_180 = vector.shape_cast %swap3A_179 : vector<1x1x16xf32> to vector<16xf32>
      %swap3A_181 = vector.shape_cast %broadcast_in_dim3A_174 : vector<16xf32> to vector<1x1x16xf32>
      tpu.vector_store %arg9[%swap3A_176, %swap3A_177, %swap3A_178], %swap3A_181 {strides = array<i32>} : memref<2x40x128xf32, #tpu.memory_space<vmem>>, vector<1x1x16xf32>,
      %broadcast_in_dim3A_182 = arith.constant 0.000000e+00 : f32
      %broadcast_in_dim3A_183 = vector.broadcast %broadcast_in_dim3A_182 : f32 to vector<16xf32>
      %swap3A_184 = arith.constant 0 : i32
      %swap3A_185 = arith.index_cast %swap3A_184 : i32 to index
      %swap3A_186 = arith.index_cast %scan3A_146 : i32 to index
      %swap3A_187 = arith.constant 64 : index
      %swap3A_188 = tpu.vector_load %arg9[%swap3A_185, %swap3A_186, %swap3A_187] {strides = array<i32>} : memref<2x40x128xf32, #tpu.memory_space<vmem>>, vector<1x1x16xf32>,
      %swap3A_189 = vector.shape_cast %swap3A_188 : vector<1x1x16xf32> to vector<16xf32>
      %swap3A_190 = vector.shape_cast %broadcast_in_dim3A_183 : vector<16xf32> to vector<1x1x16xf32>
      tpu.vector_store %arg9[%swap3A_185, %swap3A_186, %swap3A_187], %swap3A_190 {strides = array<i32>} : memref<2x40x128xf32, #tpu.memory_space<vmem>>, vector<1x1x16xf32>,
      %broadcast_in_dim3A_191 = arith.constant 0.000000e+00 : f32
      %broadcast_in_dim3A_192 = vector.broadcast %broadcast_in_dim3A_191 : f32 to vector<16xf32>
      %swap3A_193 = arith.constant 0 : i32
      %swap3A_194 = arith.index_cast %swap3A_193 : i32 to index
      %swap3A_195 = arith.index_cast %scan3A_146 : i32 to index
      %swap3A_196 = arith.constant 80 : index
      %swap3A_197 = tpu.vector_load %arg9[%swap3A_194, %swap3A_195, %swap3A_196] {strides = array<i32>} : memref<2x40x128xf32, #tpu.memory_space<vmem>>, vector<1x1x16xf32>,
      %swap3A_198 = vector.shape_cast %swap3A_197 : vector<1x1x16xf32> to vector<16xf32>
      %swap3A_199 = vector.shape_cast %broadcast_in_dim3A_192 : vector<16xf32> to vector<1x1x16xf32>
      tpu.vector_store %arg9[%swap3A_194, %swap3A_195, %swap3A_196], %swap3A_199 {strides = array<i32>} : memref<2x40x128xf32, #tpu.memory_space<vmem>>, vector<1x1x16xf32>,
      %broadcast_in_dim3A_200 = arith.constant 0.000000e+00 : f32
      %broadcast_in_dim3A_201 = vector.broadcast %broadcast_in_dim3A_200 : f32 to vector<16xf32>
      %swap3A_202 = arith.constant 0 : i32
      %swap3A_203 = arith.index_cast %swap3A_202 : i32 to index
      %swap3A_204 = arith.index_cast %scan3A_146 : i32 to index
      %swap3A_205 = arith.constant 96 : index
      %swap3A_206 = tpu.vector_load %arg9[%swap3A_203, %swap3A_204, %swap3A_205] {strides = array<i32>} : memref<2x40x128xf32, #tpu.memory_space<vmem>>, vector<1x1x16xf32>,
      %swap3A_207 = vector.shape_cast %swap3A_206 : vector<1x1x16xf32> to vector<16xf32>
      %swap3A_208 = vector.shape_cast %broadcast_in_dim3A_201 : vector<16xf32> to vector<1x1x16xf32>
      tpu.vector_store %arg9[%swap3A_203, %swap3A_204, %swap3A_205], %swap3A_208 {strides = array<i32>} : memref<2x40x128xf32, #tpu.memory_space<vmem>>, vector<1x1x16xf32>,
      %broadcast_in_dim3A_209 = arith.constant 0.000000e+00 : f32
      %broadcast_in_dim3A_210 = vector.broadcast %broadcast_in_dim3A_209 : f32 to vector<16xf32>
      %swap3A_211 = arith.constant 0 : i32
      %swap3A_212 = arith.index_cast %swap3A_211 : i32 to index
      %swap3A_213 = arith.index_cast %scan3A_146 : i32 to index
      %swap3A_214 = arith.constant 112 : index
      %swap3A_215 = tpu.vector_load %arg9[%swap3A_212, %swap3A_213, %swap3A_214] {strides = array<i32>} : memref<2x40x128xf32, #tpu.memory_space<vmem>>, vector<1x1x16xf32>,
      %swap3A_216 = vector.shape_cast %swap3A_215 : vector<1x1x16xf32> to vector<16xf32>
      %swap3A_217 = vector.shape_cast %broadcast_in_dim3A_210 : vector<16xf32> to vector<1x1x16xf32>
      tpu.vector_store %arg9[%swap3A_212, %swap3A_213, %swap3A_214], %swap3A_217 {strides = array<i32>} : memref<2x40x128xf32, #tpu.memory_space<vmem>>, vector<1x1x16xf32>,
      %scan3A_218 = arith.constant 0 : i32
      scf.yield %scan3A_218 : i32
    }
    %scan3A_6 = arith.constant 40 : i32
    %mul3A_7 = arith.constant 624 : i32
    %mul3A_8 = arith.muli %arg1, %mul3A_7 : i32
    %add3A_9 = arith.constant 0 : i32
    %add3A_10 = arith.addi %mul3A_8, %add3A_9 : i32
    %run_scoped3A = arith.constant 0 : i32
    "tpu.region"() ({
      %run_scoped3A_146 = tpu.sem_alloc : memref<!tpu.dma_semaphore, #tpu.memory_space<semaphore_mem>>
      %dma_start3A_147 = arith.constant 0 : i32
      %dma_start3A_148 = arith.constant 0 : i32
      %dma_start3A_149 = tpu.memref_slice %arg9[%run_scoped3A, %dma_start3A_147, %dma_start3A_148] : memref<2x40x128xf32, #tpu.memory_space<vmem>> -> memref<1x40x128xf32, #tpu.memory_space<vmem>>
      %dma_start3A_150 = tpu.memref_squeeze %dma_start3A_149 : memref<1x40x128xf32, #tpu.memory_space<vmem>> -> memref<40x128xf32, #tpu.memory_space<vmem>>
      %dma_start3A_151 = arith.constant 0 : i32
      %dma_start3A_152 = tpu.memref_slice %arg11[%add3A_10, %dma_start3A_151] : memref<10000x128xf32, #tpu.memory_space<vmem_shared>> -> memref<40x128xf32, #tpu.memory_space<vmem_shared>>
      %dma_start3A_153 = arith.constant 0 : i32
      %dma_start3A_154 = tpu.memref_slice %arg11[%add3A_10, %dma_start3A_153] : memref<10000x128xf32, #tpu.memory_space<vmem_shared>> -> memref<40x128xf32, #tpu.memory_space<vmem_shared>>
      %dma_start3A_155 = arith.constant 0 : i32
      %dma_start3A_156 = arith.constant 0 : i32
      %dma_start3A_157 = tpu.memref_slice %arg9[%run_scoped3A, %dma_start3A_155, %dma_start3A_156] : memref<2x40x128xf32, #tpu.memory_space<vmem>> -> memref<1x40x128xf32, #tpu.memory_space<vmem>>
      %dma_start3A_158 = tpu.memref_squeeze %dma_start3A_157 : memref<1x40x128xf32, #tpu.memory_space<vmem>> -> memref<40x128xf32, #tpu.memory_space<vmem>>
      tpu.enqueue_dma source(%dma_start3A_158 : memref<40x128xf32, #tpu.memory_space<vmem>>) target(%dma_start3A_154 : memref<40x128xf32, #tpu.memory_space<vmem_shared>>) target_semaphore(%run_scoped3A_146 : memref<!tpu.dma_semaphore, #tpu.memory_space<semaphore_mem>>)
      %dma_wait3A_159 = arith.constant 0 : i32
      %dma_wait3A_160 = arith.constant 0 : i32
      %dma_wait3A_161 = tpu.memref_slice %arg9[%run_scoped3A, %dma_wait3A_159, %dma_wait3A_160] : memref<2x40x128xf32, #tpu.memory_space<vmem>> -> memref<1x40x128xf32, #tpu.memory_space<vmem>>
      %dma_wait3A_162 = tpu.memref_squeeze %dma_wait3A_161 : memref<1x40x128xf32, #tpu.memory_space<vmem>> -> memref<40x128xf32, #tpu.memory_space<vmem>>
      %dma_wait3A_163 = arith.constant 0 : i32
      %dma_wait3A_164 = tpu.memref_slice %arg11[%add3A_10, %dma_wait3A_163] : memref<10000x128xf32, #tpu.memory_space<vmem_shared>> -> memref<40x128xf32, #tpu.memory_space<vmem_shared>>
      %dma_wait3A_165 = arith.constant 0 : i32
      %dma_wait3A_166 = tpu.memref_slice %arg11[%add3A_10, %dma_wait3A_165] : memref<10000x128xf32, #tpu.memory_space<vmem_shared>> -> memref<40x128xf32, #tpu.memory_space<vmem_shared>>
      %dma_wait3A_167 = arith.constant 0 : i32
      %dma_wait3A_168 = arith.constant 0 : i32
      %dma_wait3A_169 = tpu.memref_slice %arg9[%run_scoped3A, %dma_wait3A_167, %dma_wait3A_168] : memref<2x40x128xf32, #tpu.memory_space<vmem>> -> memref<1x40x128xf32, #tpu.memory_space<vmem>>
      %dma_wait3A_170 = tpu.memref_squeeze %dma_wait3A_169 : memref<1x40x128xf32, #tpu.memory_space<vmem>> -> memref<40x128xf32, #tpu.memory_space<vmem>>
      tpu.wait_dma2 semaphore(%run_scoped3A_146 : memref<!tpu.dma_semaphore, #tpu.memory_space<semaphore_mem>>) src(%dma_wait3A_170 : memref<40x128xf32, #tpu.memory_space<vmem>>) dst(%dma_wait3A_166 : memref<40x128xf32, #tpu.memory_space<vmem_shared>>)
      tpu.yield
    }) : () -> ()
    %mul3A_11 = arith.constant 624 : i32
    %mul3A_12 = arith.muli %arg1, %mul3A_11 : i32
    %add3A_13 = arith.constant 40 : i32
    %add3A_14 = arith.addi %mul3A_12, %add3A_13 : i32
    %run_scoped3A_15 = arith.constant 0 : i32
    "tpu.region"() ({
      %run_scoped3A_146 = tpu.sem_alloc : memref<!tpu.dma_semaphore, #tpu.memory_space<semaphore_mem>>
      %dma_start3A_147 = arith.constant 0 : i32
      %dma_start3A_148 = arith.constant 0 : i32
      %dma_start3A_149 = tpu.memref_slice %arg9[%run_scoped3A_15, %dma_start3A_147, %dma_start3A_148] : memref<2x40x128xf32, #tpu.memory_space<vmem>> -> memref<1x40x128xf32, #tpu.memory_space<vmem>>
      %dma_start3A_150 = tpu.memref_squeeze %dma_start3A_149 : memref<1x40x128xf32, #tpu.memory_space<vmem>> -> memref<40x128xf32, #tpu.memory_space<vmem>>
      %dma_start3A_151 = arith.constant 0 : i32
      %dma_start3A_152 = tpu.memref_slice %arg11[%add3A_14, %dma_start3A_151] : memref<10000x128xf32, #tpu.memory_space<vmem_shared>> -> memref<40x128xf32, #tpu.memory_space<vmem_shared>>
      %dma_start3A_153 = arith.constant 0 : i32
      %dma_start3A_154 = tpu.memref_slice %arg11[%add3A_14, %dma_start3A_153] : memref<10000x128xf32, #tpu.memory_space<vmem_shared>> -> memref<40x128xf32, #tpu.memory_space<vmem_shared>>
      %dma_start3A_155 = arith.constant 0 : i32
      %dma_start3A_156 = arith.constant 0 : i32
      %dma_start3A_157 = tpu.memref_slice %arg9[%run_scoped3A_15, %dma_start3A_155, %dma_start3A_156] : memref<2x40x128xf32, #tpu.memory_space<vmem>> -> memref<1x40x128xf32, #tpu.memory_space<vmem>>
      %dma_start3A_158 = tpu.memref_squeeze %dma_start3A_157 : memref<1x40x128xf32, #tpu.memory_space<vmem>> -> memref<40x128xf32, #tpu.memory_space<vmem>>
      tpu.enqueue_dma source(%dma_start3A_158 : memref<40x128xf32, #tpu.memory_space<vmem>>) target(%dma_start3A_154 : memref<40x128xf32, #tpu.memory_space<vmem_shared>>) target_semaphore(%run_scoped3A_146 : memref<!tpu.dma_semaphore, #tpu.memory_space<semaphore_mem>>)
      %dma_wait3A_159 = arith.constant 0 : i32
      %dma_wait3A_160 = arith.constant 0 : i32
      %dma_wait3A_161 = tpu.memref_slice %arg9[%run_scoped3A_15, %dma_wait3A_159, %dma_wait3A_160] : memref<2x40x128xf32, #tpu.memory_space<vmem>> -> memref<1x40x128xf32, #tpu.memory_space<vmem>>
      %dma_wait3A_162 = tpu.memref_squeeze %dma_wait3A_161 : memref<1x40x128xf32, #tpu.memory_space<vmem>> -> memref<40x128xf32, #tpu.memory_space<vmem>>
      %dma_wait3A_163 = arith.constant 0 : i32
      %dma_wait3A_164 = tpu.memref_slice %arg11[%add3A_14, %dma_wait3A_163] : memref<10000x128xf32, #tpu.memory_space<vmem_shared>> -> memref<40x128xf32, #tpu.memory_space<vmem_shared>>
      %dma_wait3A_165 = arith.constant 0 : i32
      %dma_wait3A_166 = tpu.memref_slice %arg11[%add3A_14, %dma_wait3A_165] : memref<10000x128xf32, #tpu.memory_space<vmem_shared>> -> memref<40x128xf32, #tpu.memory_space<vmem_shared>>
      %dma_wait3A_167 = arith.constant 0 : i32
      %dma_wait3A_168 = arith.constant 0 : i32
      %dma_wait3A_169 = tpu.memref_slice %arg9[%run_scoped3A_15, %dma_wait3A_167, %dma_wait3A_168] : memref<2x40x128xf32, #tpu.memory_space<vmem>> -> memref<1x40x128xf32, #tpu.memory_space<vmem>>
      %dma_wait3A_170 = tpu.memref_squeeze %dma_wait3A_169 : memref<1x40x128xf32, #tpu.memory_space<vmem>> -> memref<40x128xf32, #tpu.memory_space<vmem>>
      tpu.wait_dma2 semaphore(%run_scoped3A_146 : memref<!tpu.dma_semaphore, #tpu.memory_space<semaphore_mem>>) src(%dma_wait3A_170 : memref<40x128xf32, #tpu.memory_space<vmem>>) dst(%dma_wait3A_166 : memref<40x128xf32, #tpu.memory_space<vmem_shared>>)
      tpu.yield
    }) : () -> ()
    %mul3A_16 = arith.constant 624 : i32
    %mul3A_17 = arith.muli %arg1, %mul3A_16 : i32
    %add3A_18 = arith.constant 80 : i32
    %add3A_19 = arith.addi %mul3A_17, %add3A_18 : i32
    %run_scoped3A_20 = arith.constant 0 : i32
    "tpu.region"() ({
      %run_scoped3A_146 = tpu.sem_alloc : memref<!tpu.dma_semaphore, #tpu.memory_space<semaphore_mem>>
      %dma_start3A_147 = arith.constant 0 : i32
      %dma_start3A_148 = arith.constant 0 : i32
      %dma_start3A_149 = tpu.memref_slice %arg9[%run_scoped3A_20, %dma_start3A_147, %dma_start3A_148] : memref<2x40x128xf32, #tpu.memory_space<vmem>> -> memref<1x40x128xf32, #tpu.memory_space<vmem>>
      %dma_start3A_150 = tpu.memref_squeeze %dma_start3A_149 : memref<1x40x128xf32, #tpu.memory_space<vmem>> -> memref<40x128xf32, #tpu.memory_space<vmem>>
      %dma_start3A_151 = arith.constant 0 : i32
      %dma_start3A_152 = tpu.memref_slice %arg11[%add3A_19, %dma_start3A_151] : memref<10000x128xf32, #tpu.memory_space<vmem_shared>> -> memref<40x128xf32, #tpu.memory_space<vmem_shared>>
      %dma_start3A_153 = arith.constant 0 : i32
      %dma_start3A_154 = tpu.memref_slice %arg11[%add3A_19, %dma_start3A_153] : memref<10000x128xf32, #tpu.memory_space<vmem_shared>> -> memref<40x128xf32, #tpu.memory_space<vmem_shared>>
      %dma_start3A_155 = arith.constant 0 : i32
      %dma_start3A_156 = arith.constant 0 : i32
      %dma_start3A_157 = tpu.memref_slice %arg9[%run_scoped3A_20, %dma_start3A_155, %dma_start3A_156] : memref<2x40x128xf32, #tpu.memory_space<vmem>> -> memref<1x40x128xf32, #tpu.memory_space<vmem>>
      %dma_start3A_158 = tpu.memref_squeeze %dma_start3A_157 : memref<1x40x128xf32, #tpu.memory_space<vmem>> -> memref<40x128xf32, #tpu.memory_space<vmem>>
      tpu.enqueue_dma source(%dma_start3A_158 : memref<40x128xf32, #tpu.memory_space<vmem>>) target(%dma_start3A_154 : memref<40x128xf32, #tpu.memory_space<vmem_shared>>) target_semaphore(%run_scoped3A_146 : memref<!tpu.dma_semaphore, #tpu.memory_space<semaphore_mem>>)
      %dma_wait3A_159 = arith.constant 0 : i32
      %dma_wait3A_160 = arith.constant 0 : i32
      %dma_wait3A_161 = tpu.memref_slice %arg9[%run_scoped3A_20, %dma_wait3A_159, %dma_wait3A_160] : memref<2x40x128xf32, #tpu.memory_space<vmem>> -> memref<1x40x128xf32, #tpu.memory_space<vmem>>
      %dma_wait3A_162 = tpu.memref_squeeze %dma_wait3A_161 : memref<1x40x128xf32, #tpu.memory_space<vmem>> -> memref<40x128xf32, #tpu.memory_space<vmem>>
      %dma_wait3A_163 = arith.constant 0 : i32
      %dma_wait3A_164 = tpu.memref_slice %arg11[%add3A_19, %dma_wait3A_163] : memref<10000x128xf32, #tpu.memory_space<vmem_shared>> -> memref<40x128xf32, #tpu.memory_space<vmem_shared>>
      %dma_wait3A_165 = arith.constant 0 : i32
      %dma_wait3A_166 = tpu.memref_slice %arg11[%add3A_19, %dma_wait3A_165] : memref<10000x128xf32, #tpu.memory_space<vmem_shared>> -> memref<40x128xf32, #tpu.memory_space<vmem_shared>>
      %dma_wait3A_167 = arith.constant 0 : i32
      %dma_wait3A_168 = arith.constant 0 : i32
      %dma_wait3A_169 = tpu.memref_slice %arg9[%run_scoped3A_20, %dma_wait3A_167, %dma_wait3A_168] : memref<2x40x128xf32, #tpu.memory_space<vmem>> -> memref<1x40x128xf32, #tpu.memory_space<vmem>>
      %dma_wait3A_170 = tpu.memref_squeeze %dma_wait3A_169 : memref<1x40x128xf32, #tpu.memory_space<vmem>> -> memref<40x128xf32, #tpu.memory_space<vmem>>
      tpu.wait_dma2 semaphore(%run_scoped3A_146 : memref<!tpu.dma_semaphore, #tpu.memory_space<semaphore_mem>>) src(%dma_wait3A_170 : memref<40x128xf32, #tpu.memory_space<vmem>>) dst(%dma_wait3A_166 : memref<40x128xf32, #tpu.memory_space<vmem_shared>>)
      tpu.yield
    }) : () -> ()
    %mul3A_21 = arith.constant 624 : i32
    %mul3A_22 = arith.muli %arg1, %mul3A_21 : i32
    %add3A_23 = arith.constant 120 : i32
    %add3A_24 = arith.addi %mul3A_22, %add3A_23 : i32
    %run_scoped3A_25 = arith.constant 0 : i32
    "tpu.region"() ({
      %run_scoped3A_146 = tpu.sem_alloc : memref<!tpu.dma_semaphore, #tpu.memory_space<semaphore_mem>>
      %dma_start3A_147 = arith.constant 0 : i32
      %dma_start3A_148 = arith.constant 0 : i32
      %dma_start3A_149 = tpu.memref_slice %arg9[%run_scoped3A_25, %dma_start3A_147, %dma_start3A_148] : memref<2x40x128xf32, #tpu.memory_space<vmem>> -> memref<1x40x128xf32, #tpu.memory_space<vmem>>
      %dma_start3A_150 = tpu.memref_squeeze %dma_start3A_149 : memref<1x40x128xf32, #tpu.memory_space<vmem>> -> memref<40x128xf32, #tpu.memory_space<vmem>>
      %dma_start3A_151 = arith.constant 0 : i32
      %dma_start3A_152 = tpu.memref_slice %arg11[%add3A_24, %dma_start3A_151] : memref<10000x128xf32, #tpu.memory_space<vmem_shared>> -> memref<40x128xf32, #tpu.memory_space<vmem_shared>>
      %dma_start3A_153 = arith.constant 0 : i32
      %dma_start3A_154 = tpu.memref_slice %arg11[%add3A_24, %dma_start3A_153] : memref<10000x128xf32, #tpu.memory_space<vmem_shared>> -> memref<40x128xf32, #tpu.memory_space<vmem_shared>>
      %dma_start3A_155 = arith.constant 0 : i32
      %dma_start3A_156 = arith.constant 0 : i32
      %dma_start3A_157 = tpu.memref_slice %arg9[%run_scoped3A_25, %dma_start3A_155, %dma_start3A_156] : memref<2x40x128xf32, #tpu.memory_space<vmem>> -> memref<1x40x128xf32, #tpu.memory_space<vmem>>
      %dma_start3A_158 = tpu.memref_squeeze %dma_start3A_157 : memref<1x40x128xf32, #tpu.memory_space<vmem>> -> memref<40x128xf32, #tpu.memory_space<vmem>>
      tpu.enqueue_dma source(%dma_start3A_158 : memref<40x128xf32, #tpu.memory_space<vmem>>) target(%dma_start3A_154 : memref<40x128xf32, #tpu.memory_space<vmem_shared>>) target_semaphore(%run_scoped3A_146 : memref<!tpu.dma_semaphore, #tpu.memory_space<semaphore_mem>>)
      %dma_wait3A_159 = arith.constant 0 : i32
      %dma_wait3A_160 = arith.constant 0 : i32
      %dma_wait3A_161 = tpu.memref_slice %arg9[%run_scoped3A_25, %dma_wait3A_159, %dma_wait3A_160] : memref<2x40x128xf32, #tpu.memory_space<vmem>> -> memref<1x40x128xf32, #tpu.memory_space<vmem>>
      %dma_wait3A_162 = tpu.memref_squeeze %dma_wait3A_161 : memref<1x40x128xf32, #tpu.memory_space<vmem>> -> memref<40x128xf32, #tpu.memory_space<vmem>>
      %dma_wait3A_163 = arith.constant 0 : i32
      %dma_wait3A_164 = tpu.memref_slice %arg11[%add3A_24, %dma_wait3A_163] : memref<10000x128xf32, #tpu.memory_space<vmem_shared>> -> memref<40x128xf32, #tpu.memory_space<vmem_shared>>
      %dma_wait3A_165 = arith.constant 0 : i32
      %dma_wait3A_166 = tpu.memref_slice %arg11[%add3A_24, %dma_wait3A_165] : memref<10000x128xf32, #tpu.memory_space<vmem_shared>> -> memref<40x128xf32, #tpu.memory_space<vmem_shared>>
      %dma_wait3A_167 = arith.constant 0 : i32
      %dma_wait3A_168 = arith.constant 0 : i32
      %dma_wait3A_169 = tpu.memref_slice %arg9[%run_scoped3A_25, %dma_wait3A_167, %dma_wait3A_168] : memref<2x40x128xf32, #tpu.memory_space<vmem>> -> memref<1x40x128xf32, #tpu.memory_space<vmem>>
      %dma_wait3A_170 = tpu.memref_squeeze %dma_wait3A_169 : memref<1x40x128xf32, #tpu.memory_space<vmem>> -> memref<40x128xf32, #tpu.memory_space<vmem>>
      tpu.wait_dma2 semaphore(%run_scoped3A_146 : memref<!tpu.dma_semaphore, #tpu.memory_space<semaphore_mem>>) src(%dma_wait3A_170 : memref<40x128xf32, #tpu.memory_space<vmem>>) dst(%dma_wait3A_166 : memref<40x128xf32, #tpu.memory_space<vmem_shared>>)
      tpu.yield
    }) : () -> ()
    %mul3A_26 = arith.constant 624 : i32
    %mul3A_27 = arith.muli %arg1, %mul3A_26 : i32
    %add3A_28 = arith.constant 160 : i32
    %add3A_29 = arith.addi %mul3A_27, %add3A_28 : i32
    %run_scoped3A_30 = arith.constant 0 : i32
    "tpu.region"() ({
      %run_scoped3A_146 = tpu.sem_alloc : memref<!tpu.dma_semaphore, #tpu.memory_space<semaphore_mem>>
      %dma_start3A_147 = arith.constant 0 : i32
      %dma_start3A_148 = arith.constant 0 : i32
      %dma_start3A_149 = tpu.memref_slice %arg9[%run_scoped3A_30, %dma_start3A_147, %dma_start3A_148] : memref<2x40x128xf32, #tpu.memory_space<vmem>> -> memref<1x40x128xf32, #tpu.memory_space<vmem>>
      %dma_start3A_150 = tpu.memref_squeeze %dma_start3A_149 : memref<1x40x128xf32, #tpu.memory_space<vmem>> -> memref<40x128xf32, #tpu.memory_space<vmem>>
      %dma_start3A_151 = arith.constant 0 : i32
      %dma_start3A_152 = tpu.memref_slice %arg11[%add3A_29, %dma_start3A_151] : memref<10000x128xf32, #tpu.memory_space<vmem_shared>> -> memref<40x128xf32, #tpu.memory_space<vmem_shared>>
      %dma_start3A_153 = arith.constant 0 : i32
      %dma_start3A_154 = tpu.memref_slice %arg11[%add3A_29, %dma_start3A_153] : memref<10000x128xf32, #tpu.memory_space<vmem_shared>> -> memref<40x128xf32, #tpu.memory_space<vmem_shared>>
      %dma_start3A_155 = arith.constant 0 : i32
      %dma_start3A_156 = arith.constant 0 : i32
      %dma_start3A_157 = tpu.memref_slice %arg9[%run_scoped3A_30, %dma_start3A_155, %dma_start3A_156] : memref<2x40x128xf32, #tpu.memory_space<vmem>> -> memref<1x40x128xf32, #tpu.memory_space<vmem>>
      %dma_start3A_158 = tpu.memref_squeeze %dma_start3A_157 : memref<1x40x128xf32, #tpu.memory_space<vmem>> -> memref<40x128xf32, #tpu.memory_space<vmem>>
      tpu.enqueue_dma source(%dma_start3A_158 : memref<40x128xf32, #tpu.memory_space<vmem>>) target(%dma_start3A_154 : memref<40x128xf32, #tpu.memory_space<vmem_shared>>) target_semaphore(%run_scoped3A_146 : memref<!tpu.dma_semaphore, #tpu.memory_space<semaphore_mem>>)
      %dma_wait3A_159 = arith.constant 0 : i32
      %dma_wait3A_160 = arith.constant 0 : i32
      %dma_wait3A_161 = tpu.memref_slice %arg9[%run_scoped3A_30, %dma_wait3A_159, %dma_wait3A_160] : memref<2x40x128xf32, #tpu.memory_space<vmem>> -> memref<1x40x128xf32, #tpu.memory_space<vmem>>
      %dma_wait3A_162 = tpu.memref_squeeze %dma_wait3A_161 : memref<1x40x128xf32, #tpu.memory_space<vmem>> -> memref<40x128xf32, #tpu.memory_space<vmem>>
      %dma_wait3A_163 = arith.constant 0 : i32
      %dma_wait3A_164 = tpu.memref_slice %arg11[%add3A_29, %dma_wait3A_163] : memref<10000x128xf32, #tpu.memory_space<vmem_shared>> -> memref<40x128xf32, #tpu.memory_space<vmem_shared>>
      %dma_wait3A_165 = arith.constant 0 : i32
      %dma_wait3A_166 = tpu.memref_slice %arg11[%add3A_29, %dma_wait3A_165] : memref<10000x128xf32, #tpu.memory_space<vmem_shared>> -> memref<40x128xf32, #tpu.memory_space<vmem_shared>>
      %dma_wait3A_167 = arith.constant 0 : i32
      %dma_wait3A_168 = arith.constant 0 : i32
      %dma_wait3A_169 = tpu.memref_slice %arg9[%run_scoped3A_30, %dma_wait3A_167, %dma_wait3A_168] : memref<2x40x128xf32, #tpu.memory_space<vmem>> -> memref<1x40x128xf32, #tpu.memory_space<vmem>>
      %dma_wait3A_170 = tpu.memref_squeeze %dma_wait3A_169 : memref<1x40x128xf32, #tpu.memory_space<vmem>> -> memref<40x128xf32, #tpu.memory_space<vmem>>
      tpu.wait_dma2 semaphore(%run_scoped3A_146 : memref<!tpu.dma_semaphore, #tpu.memory_space<semaphore_mem>>) src(%dma_wait3A_170 : memref<40x128xf32, #tpu.memory_space<vmem>>) dst(%dma_wait3A_166 : memref<40x128xf32, #tpu.memory_space<vmem_shared>>)
      tpu.yield
    }) : () -> ()
    %mul3A_31 = arith.constant 624 : i32
    %mul3A_32 = arith.muli %arg1, %mul3A_31 : i32
    %add3A_33 = arith.constant 200 : i32
    %add3A_34 = arith.addi %mul3A_32, %add3A_33 : i32
    %run_scoped3A_35 = arith.constant 0 : i32
    "tpu.region"() ({
      %run_scoped3A_146 = tpu.sem_alloc : memref<!tpu.dma_semaphore, #tpu.memory_space<semaphore_mem>>
      %dma_start3A_147 = arith.constant 0 : i32
      %dma_start3A_148 = arith.constant 0 : i32
      %dma_start3A_149 = tpu.memref_slice %arg9[%run_scoped3A_35, %dma_start3A_147, %dma_start3A_148] : memref<2x40x128xf32, #tpu.memory_space<vmem>> -> memref<1x40x128xf32, #tpu.memory_space<vmem>>
      %dma_start3A_150 = tpu.memref_squeeze %dma_start3A_149 : memref<1x40x128xf32, #tpu.memory_space<vmem>> -> memref<40x128xf32, #tpu.memory_space<vmem>>
      %dma_start3A_151 = arith.constant 0 : i32
      %dma_start3A_152 = tpu.memref_slice %arg11[%add3A_34, %dma_start3A_151] : memref<10000x128xf32, #tpu.memory_space<vmem_shared>> -> memref<40x128xf32, #tpu.memory_space<vmem_shared>>
      %dma_start3A_153 = arith.constant 0 : i32
      %dma_start3A_154 = tpu.memref_slice %arg11[%add3A_34, %dma_start3A_153] : memref<10000x128xf32, #tpu.memory_space<vmem_shared>> -> memref<40x128xf32, #tpu.memory_space<vmem_shared>>
      %dma_start3A_155 = arith.constant 0 : i32
      %dma_start3A_156 = arith.constant 0 : i32
      %dma_start3A_157 = tpu.memref_slice %arg9[%run_scoped3A_35, %dma_start3A_155, %dma_start3A_156] : memref<2x40x128xf32, #tpu.memory_space<vmem>> -> memref<1x40x128xf32, #tpu.memory_space<vmem>>
      %dma_start3A_158 = tpu.memref_squeeze %dma_start3A_157 : memref<1x40x128xf32, #tpu.memory_space<vmem>> -> memref<40x128xf32, #tpu.memory_space<vmem>>
      tpu.enqueue_dma source(%dma_start3A_158 : memref<40x128xf32, #tpu.memory_space<vmem>>) target(%dma_start3A_154 : memref<40x128xf32, #tpu.memory_space<vmem_shared>>) target_semaphore(%run_scoped3A_146 : memref<!tpu.dma_semaphore, #tpu.memory_space<semaphore_mem>>)
      %dma_wait3A_159 = arith.constant 0 : i32
      %dma_wait3A_160 = arith.constant 0 : i32
      %dma_wait3A_161 = tpu.memref_slice %arg9[%run_scoped3A_35, %dma_wait3A_159, %dma_wait3A_160] : memref<2x40x128xf32, #tpu.memory_space<vmem>> -> memref<1x40x128xf32, #tpu.memory_space<vmem>>
      %dma_wait3A_162 = tpu.memref_squeeze %dma_wait3A_161 : memref<1x40x128xf32, #tpu.memory_space<vmem>> -> memref<40x128xf32, #tpu.memory_space<vmem>>
      %dma_wait3A_163 = arith.constant 0 : i32
      %dma_wait3A_164 = tpu.memref_slice %arg11[%add3A_34, %dma_wait3A_163] : memref<10000x128xf32, #tpu.memory_space<vmem_shared>> -> memref<40x128xf32, #tpu.memory_space<vmem_shared>>
      %dma_wait3A_165 = arith.constant 0 : i32
      %dma_wait3A_166 = tpu.memref_slice %arg11[%add3A_34, %dma_wait3A_165] : memref<10000x128xf32, #tpu.memory_space<vmem_shared>> -> memref<40x128xf32, #tpu.memory_space<vmem_shared>>
      %dma_wait3A_167 = arith.constant 0 : i32
      %dma_wait3A_168 = arith.constant 0 : i32
      %dma_wait3A_169 = tpu.memref_slice %arg9[%run_scoped3A_35, %dma_wait3A_167, %dma_wait3A_168] : memref<2x40x128xf32, #tpu.memory_space<vmem>> -> memref<1x40x128xf32, #tpu.memory_space<vmem>>
      %dma_wait3A_170 = tpu.memref_squeeze %dma_wait3A_169 : memref<1x40x128xf32, #tpu.memory_space<vmem>> -> memref<40x128xf32, #tpu.memory_space<vmem>>
      tpu.wait_dma2 semaphore(%run_scoped3A_146 : memref<!tpu.dma_semaphore, #tpu.memory_space<semaphore_mem>>) src(%dma_wait3A_170 : memref<40x128xf32, #tpu.memory_space<vmem>>) dst(%dma_wait3A_166 : memref<40x128xf32, #tpu.memory_space<vmem_shared>>)
      tpu.yield
    }) : () -> ()
    %mul3A_36 = arith.constant 624 : i32
    %mul3A_37 = arith.muli %arg1, %mul3A_36 : i32
    %add3A_38 = arith.constant 240 : i32
    %add3A_39 = arith.addi %mul3A_37, %add3A_38 : i32
    %run_scoped3A_40 = arith.constant 0 : i32
    "tpu.region"() ({
      %run_scoped3A_146 = tpu.sem_alloc : memref<!tpu.dma_semaphore, #tpu.memory_space<semaphore_mem>>
      %dma_start3A_147 = arith.constant 0 : i32
      %dma_start3A_148 = arith.constant 0 : i32
      %dma_start3A_149 = tpu.memref_slice %arg9[%run_scoped3A_40, %dma_start3A_147, %dma_start3A_148] : memref<2x40x128xf32, #tpu.memory_space<vmem>> -> memref<1x40x128xf32, #tpu.memory_space<vmem>>
      %dma_start3A_150 = tpu.memref_squeeze %dma_start3A_149 : memref<1x40x128xf32, #tpu.memory_space<vmem>> -> memref<40x128xf32, #tpu.memory_space<vmem>>
      %dma_start3A_151 = arith.constant 0 : i32
      %dma_start3A_152 = tpu.memref_slice %arg11[%add3A_39, %dma_start3A_151] : memref<10000x128xf32, #tpu.memory_space<vmem_shared>> -> memref<40x128xf32, #tpu.memory_space<vmem_shared>>
      %dma_start3A_153 = arith.constant 0 : i32
      %dma_start3A_154 = tpu.memref_slice %arg11[%add3A_39, %dma_start3A_153] : memref<10000x128xf32, #tpu.memory_space<vmem_shared>> -> memref<40x128xf32, #tpu.memory_space<vmem_shared>>
      %dma_start3A_155 = arith.constant 0 : i32
      %dma_start3A_156 = arith.constant 0 : i32
      %dma_start3A_157 = tpu.memref_slice %arg9[%run_scoped3A_40, %dma_start3A_155, %dma_start3A_156] : memref<2x40x128xf32, #tpu.memory_space<vmem>> -> memref<1x40x128xf32, #tpu.memory_space<vmem>>
      %dma_start3A_158 = tpu.memref_squeeze %dma_start3A_157 : memref<1x40x128xf32, #tpu.memory_space<vmem>> -> memref<40x128xf32, #tpu.memory_space<vmem>>
      tpu.enqueue_dma source(%dma_start3A_158 : memref<40x128xf32, #tpu.memory_space<vmem>>) target(%dma_start3A_154 : memref<40x128xf32, #tpu.memory_space<vmem_shared>>) target_semaphore(%run_scoped3A_146 : memref<!tpu.dma_semaphore, #tpu.memory_space<semaphore_mem>>)
      %dma_wait3A_159 = arith.constant 0 : i32
      %dma_wait3A_160 = arith.constant 0 : i32
      %dma_wait3A_161 = tpu.memref_slice %arg9[%run_scoped3A_40, %dma_wait3A_159, %dma_wait3A_160] : memref<2x40x128xf32, #tpu.memory_space<vmem>> -> memref<1x40x128xf32, #tpu.memory_space<vmem>>
      %dma_wait3A_162 = tpu.memref_squeeze %dma_wait3A_161 : memref<1x40x128xf32, #tpu.memory_space<vmem>> -> memref<40x128xf32, #tpu.memory_space<vmem>>
      %dma_wait3A_163 = arith.constant 0 : i32
      %dma_wait3A_164 = tpu.memref_slice %arg11[%add3A_39, %dma_wait3A_163] : memref<10000x128xf32, #tpu.memory_space<vmem_shared>> -> memref<40x128xf32, #tpu.memory_space<vmem_shared>>
      %dma_wait3A_165 = arith.constant 0 : i32
      %dma_wait3A_166 = tpu.memref_slice %arg11[%add3A_39, %dma_wait3A_165] : memref<10000x128xf32, #tpu.memory_space<vmem_shared>> -> memref<40x128xf32, #tpu.memory_space<vmem_shared>>
      %dma_wait3A_167 = arith.constant 0 : i32
      %dma_wait3A_168 = arith.constant 0 : i32
      %dma_wait3A_169 = tpu.memref_slice %arg9[%run_scoped3A_40, %dma_wait3A_167, %dma_wait3A_168] : memref<2x40x128xf32, #tpu.memory_space<vmem>> -> memref<1x40x128xf32, #tpu.memory_space<vmem>>
      %dma_wait3A_170 = tpu.memref_squeeze %dma_wait3A_169 : memref<1x40x128xf32, #tpu.memory_space<vmem>> -> memref<40x128xf32, #tpu.memory_space<vmem>>
      tpu.wait_dma2 semaphore(%run_scoped3A_146 : memref<!tpu.dma_semaphore, #tpu.memory_space<semaphore_mem>>) src(%dma_wait3A_170 : memref<40x128xf32, #tpu.memory_space<vmem>>) dst(%dma_wait3A_166 : memref<40x128xf32, #tpu.memory_space<vmem_shared>>)
      tpu.yield
    }) : () -> ()
    %mul3A_41 = arith.constant 624 : i32
    %mul3A_42 = arith.muli %arg1, %mul3A_41 : i32
    %add3A_43 = arith.constant 280 : i32
    %add3A_44 = arith.addi %mul3A_42, %add3A_43 : i32
    %run_scoped3A_45 = arith.constant 0 : i32
    "tpu.region"() ({
      %run_scoped3A_146 = tpu.sem_alloc : memref<!tpu.dma_semaphore, #tpu.memory_space<semaphore_mem>>
      %dma_start3A_147 = arith.constant 0 : i32
      %dma_start3A_148 = arith.constant 0 : i32
      %dma_start3A_149 = tpu.memref_slice %arg9[%run_scoped3A_45, %dma_start3A_147, %dma_start3A_148] : memref<2x40x128xf32, #tpu.memory_space<vmem>> -> memref<1x40x128xf32, #tpu.memory_space<vmem>>
      %dma_start3A_150 = tpu.memref_squeeze %dma_start3A_149 : memref<1x40x128xf32, #tpu.memory_space<vmem>> -> memref<40x128xf32, #tpu.memory_space<vmem>>
      %dma_start3A_151 = arith.constant 0 : i32
      %dma_start3A_152 = tpu.memref_slice %arg11[%add3A_44, %dma_start3A_151] : memref<10000x128xf32, #tpu.memory_space<vmem_shared>> -> memref<40x128xf32, #tpu.memory_space<vmem_shared>>
      %dma_start3A_153 = arith.constant 0 : i32
      %dma_start3A_154 = tpu.memref_slice %arg11[%add3A_44, %dma_start3A_153] : memref<10000x128xf32, #tpu.memory_space<vmem_shared>> -> memref<40x128xf32, #tpu.memory_space<vmem_shared>>
      %dma_start3A_155 = arith.constant 0 : i32
      %dma_start3A_156 = arith.constant 0 : i32
      %dma_start3A_157 = tpu.memref_slice %arg9[%run_scoped3A_45, %dma_start3A_155, %dma_start3A_156] : memref<2x40x128xf32, #tpu.memory_space<vmem>> -> memref<1x40x128xf32, #tpu.memory_space<vmem>>
      %dma_start3A_158 = tpu.memref_squeeze %dma_start3A_157 : memref<1x40x128xf32, #tpu.memory_space<vmem>> -> memref<40x128xf32, #tpu.memory_space<vmem>>
      tpu.enqueue_dma source(%dma_start3A_158 : memref<40x128xf32, #tpu.memory_space<vmem>>) target(%dma_start3A_154 : memref<40x128xf32, #tpu.memory_space<vmem_shared>>) target_semaphore(%run_scoped3A_146 : memref<!tpu.dma_semaphore, #tpu.memory_space<semaphore_mem>>)
      %dma_wait3A_159 = arith.constant 0 : i32
      %dma_wait3A_160 = arith.constant 0 : i32
      %dma_wait3A_161 = tpu.memref_slice %arg9[%run_scoped3A_45, %dma_wait3A_159, %dma_wait3A_160] : memref<2x40x128xf32, #tpu.memory_space<vmem>> -> memref<1x40x128xf32, #tpu.memory_space<vmem>>
      %dma_wait3A_162 = tpu.memref_squeeze %dma_wait3A_161 : memref<1x40x128xf32, #tpu.memory_space<vmem>> -> memref<40x128xf32, #tpu.memory_space<vmem>>
      %dma_wait3A_163 = arith.constant 0 : i32
      %dma_wait3A_164 = tpu.memref_slice %arg11[%add3A_44, %dma_wait3A_163] : memref<10000x128xf32, #tpu.memory_space<vmem_shared>> -> memref<40x128xf32, #tpu.memory_space<vmem_shared>>
      %dma_wait3A_165 = arith.constant 0 : i32
      %dma_wait3A_166 = tpu.memref_slice %arg11[%add3A_44, %dma_wait3A_165] : memref<10000x128xf32, #tpu.memory_space<vmem_shared>> -> memref<40x128xf32, #tpu.memory_space<vmem_shared>>
      %dma_wait3A_167 = arith.constant 0 : i32
      %dma_wait3A_168 = arith.constant 0 : i32
      %dma_wait3A_169 = tpu.memref_slice %arg9[%run_scoped3A_45, %dma_wait3A_167, %dma_wait3A_168] : memref<2x40x128xf32, #tpu.memory_space<vmem>> -> memref<1x40x128xf32, #tpu.memory_space<vmem>>
      %dma_wait3A_170 = tpu.memref_squeeze %dma_wait3A_169 : memref<1x40x128xf32, #tpu.memory_space<vmem>> -> memref<40x128xf32, #tpu.memory_space<vmem>>
      tpu.wait_dma2 semaphore(%run_scoped3A_146 : memref<!tpu.dma_semaphore, #tpu.memory_space<semaphore_mem>>) src(%dma_wait3A_170 : memref<40x128xf32, #tpu.memory_space<vmem>>) dst(%dma_wait3A_166 : memref<40x128xf32, #tpu.memory_space<vmem_shared>>)
      tpu.yield
    }) : () -> ()
    %mul3A_46 = arith.constant 624 : i32
    %mul3A_47 = arith.muli %arg1, %mul3A_46 : i32
    %add3A_48 = arith.constant 320 : i32
    %add3A_49 = arith.addi %mul3A_47, %add3A_48 : i32
    %run_scoped3A_50 = arith.constant 0 : i32
    "tpu.region"() ({
      %run_scoped3A_146 = tpu.sem_alloc : memref<!tpu.dma_semaphore, #tpu.memory_space<semaphore_mem>>
      %dma_start3A_147 = arith.constant 0 : i32
      %dma_start3A_148 = arith.constant 0 : i32
      %dma_start3A_149 = tpu.memref_slice %arg9[%run_scoped3A_50, %dma_start3A_147, %dma_start3A_148] : memref<2x40x128xf32, #tpu.memory_space<vmem>> -> memref<1x40x128xf32, #tpu.memory_space<vmem>>
      %dma_start3A_150 = tpu.memref_squeeze %dma_start3A_149 : memref<1x40x128xf32, #tpu.memory_space<vmem>> -> memref<40x128xf32, #tpu.memory_space<vmem>>
      %dma_start3A_151 = arith.constant 0 : i32
      %dma_start3A_152 = tpu.memref_slice %arg11[%add3A_49, %dma_start3A_151] : memref<10000x128xf32, #tpu.memory_space<vmem_shared>> -> memref<40x128xf32, #tpu.memory_space<vmem_shared>>
      %dma_start3A_153 = arith.constant 0 : i32
      %dma_start3A_154 = tpu.memref_slice %arg11[%add3A_49, %dma_start3A_153] : memref<10000x128xf32, #tpu.memory_space<vmem_shared>> -> memref<40x128xf32, #tpu.memory_space<vmem_shared>>
      %dma_start3A_155 = arith.constant 0 : i32
      %dma_start3A_156 = arith.constant 0 : i32
      %dma_start3A_157 = tpu.memref_slice %arg9[%run_scoped3A_50, %dma_start3A_155, %dma_start3A_156] : memref<2x40x128xf32, #tpu.memory_space<vmem>> -> memref<1x40x128xf32, #tpu.memory_space<vmem>>
      %dma_start3A_158 = tpu.memref_squeeze %dma_start3A_157 : memref<1x40x128xf32, #tpu.memory_space<vmem>> -> memref<40x128xf32, #tpu.memory_space<vmem>>
      tpu.enqueue_dma source(%dma_start3A_158 : memref<40x128xf32, #tpu.memory_space<vmem>>) target(%dma_start3A_154 : memref<40x128xf32, #tpu.memory_space<vmem_shared>>) target_semaphore(%run_scoped3A_146 : memref<!tpu.dma_semaphore, #tpu.memory_space<semaphore_mem>>)
      %dma_wait3A_159 = arith.constant 0 : i32
      %dma_wait3A_160 = arith.constant 0 : i32
      %dma_wait3A_161 = tpu.memref_slice %arg9[%run_scoped3A_50, %dma_wait3A_159, %dma_wait3A_160] : memref<2x40x128xf32, #tpu.memory_space<vmem>> -> memref<1x40x128xf32, #tpu.memory_space<vmem>>
      %dma_wait3A_162 = tpu.memref_squeeze %dma_wait3A_161 : memref<1x40x128xf32, #tpu.memory_space<vmem>> -> memref<40x128xf32, #tpu.memory_space<vmem>>
      %dma_wait3A_163 = arith.constant 0 : i32
      %dma_wait3A_164 = tpu.memref_slice %arg11[%add3A_49, %dma_wait3A_163] : memref<10000x128xf32, #tpu.memory_space<vmem_shared>> -> memref<40x128xf32, #tpu.memory_space<vmem_shared>>
      %dma_wait3A_165 = arith.constant 0 : i32
      %dma_wait3A_166 = tpu.memref_slice %arg11[%add3A_49, %dma_wait3A_165] : memref<10000x128xf32, #tpu.memory_space<vmem_shared>> -> memref<40x128xf32, #tpu.memory_space<vmem_shared>>
      %dma_wait3A_167 = arith.constant 0 : i32
      %dma_wait3A_168 = arith.constant 0 : i32
      %dma_wait3A_169 = tpu.memref_slice %arg9[%run_scoped3A_50, %dma_wait3A_167, %dma_wait3A_168] : memref<2x40x128xf32, #tpu.memory_space<vmem>> -> memref<1x40x128xf32, #tpu.memory_space<vmem>>
      %dma_wait3A_170 = tpu.memref_squeeze %dma_wait3A_169 : memref<1x40x128xf32, #tpu.memory_space<vmem>> -> memref<40x128xf32, #tpu.memory_space<vmem>>
      tpu.wait_dma2 semaphore(%run_scoped3A_146 : memref<!tpu.dma_semaphore, #tpu.memory_space<semaphore_mem>>) src(%dma_wait3A_170 : memref<40x128xf32, #tpu.memory_space<vmem>>) dst(%dma_wait3A_166 : memref<40x128xf32, #tpu.memory_space<vmem_shared>>)
      tpu.yield
    }) : () -> ()
    %mul3A_51 = arith.constant 624 : i32
    %mul3A_52 = arith.muli %arg1, %mul3A_51 : i32
    %add3A_53 = arith.constant 360 : i32
    %add3A_54 = arith.addi %mul3A_52, %add3A_53 : i32
    %run_scoped3A_55 = arith.constant 0 : i32
    "tpu.region"() ({
      %run_scoped3A_146 = tpu.sem_alloc : memref<!tpu.dma_semaphore, #tpu.memory_space<semaphore_mem>>
      %dma_start3A_147 = arith.constant 0 : i32
      %dma_start3A_148 = arith.constant 0 : i32
      %dma_start3A_149 = tpu.memref_slice %arg9[%run_scoped3A_55, %dma_start3A_147, %dma_start3A_148] : memref<2x40x128xf32, #tpu.memory_space<vmem>> -> memref<1x40x128xf32, #tpu.memory_space<vmem>>
      %dma_start3A_150 = tpu.memref_squeeze %dma_start3A_149 : memref<1x40x128xf32, #tpu.memory_space<vmem>> -> memref<40x128xf32, #tpu.memory_space<vmem>>
      %dma_start3A_151 = arith.constant 0 : i32
      %dma_start3A_152 = tpu.memref_slice %arg11[%add3A_54, %dma_start3A_151] : memref<10000x128xf32, #tpu.memory_space<vmem_shared>> -> memref<40x128xf32, #tpu.memory_space<vmem_shared>>
      %dma_start3A_153 = arith.constant 0 : i32
      %dma_start3A_154 = tpu.memref_slice %arg11[%add3A_54, %dma_start3A_153] : memref<10000x128xf32, #tpu.memory_space<vmem_shared>> -> memref<40x128xf32, #tpu.memory_space<vmem_shared>>
      %dma_start3A_155 = arith.constant 0 : i32
      %dma_start3A_156 = arith.constant 0 : i32
      %dma_start3A_157 = tpu.memref_slice %arg9[%run_scoped3A_55, %dma_start3A_155, %dma_start3A_156] : memref<2x40x128xf32, #tpu.memory_space<vmem>> -> memref<1x40x128xf32, #tpu.memory_space<vmem>>
      %dma_start3A_158 = tpu.memref_squeeze %dma_start3A_157 : memref<1x40x128xf32, #tpu.memory_space<vmem>> -> memref<40x128xf32, #tpu.memory_space<vmem>>
      tpu.enqueue_dma source(%dma_start3A_158 : memref<40x128xf32, #tpu.memory_space<vmem>>) target(%dma_start3A_154 : memref<40x128xf32, #tpu.memory_space<vmem_shared>>) target_semaphore(%run_scoped3A_146 : memref<!tpu.dma_semaphore, #tpu.memory_space<semaphore_mem>>)
      %dma_wait3A_159 = arith.constant 0 : i32
      %dma_wait3A_160 = arith.constant 0 : i32
      %dma_wait3A_161 = tpu.memref_slice %arg9[%run_scoped3A_55, %dma_wait3A_159, %dma_wait3A_160] : memref<2x40x128xf32, #tpu.memory_space<vmem>> -> memref<1x40x128xf32, #tpu.memory_space<vmem>>
      %dma_wait3A_162 = tpu.memref_squeeze %dma_wait3A_161 : memref<1x40x128xf32, #tpu.memory_space<vmem>> -> memref<40x128xf32, #tpu.memory_space<vmem>>
      %dma_wait3A_163 = arith.constant 0 : i32
      %dma_wait3A_164 = tpu.memref_slice %arg11[%add3A_54, %dma_wait3A_163] : memref<10000x128xf32, #tpu.memory_space<vmem_shared>> -> memref<40x128xf32, #tpu.memory_space<vmem_shared>>
      %dma_wait3A_165 = arith.constant 0 : i32
      %dma_wait3A_166 = tpu.memref_slice %arg11[%add3A_54, %dma_wait3A_165] : memref<10000x128xf32, #tpu.memory_space<vmem_shared>> -> memref<40x128xf32, #tpu.memory_space<vmem_shared>>
      %dma_wait3A_167 = arith.constant 0 : i32
      %dma_wait3A_168 = arith.constant 0 : i32
      %dma_wait3A_169 = tpu.memref_slice %arg9[%run_scoped3A_55, %dma_wait3A_167, %dma_wait3A_168] : memref<2x40x128xf32, #tpu.memory_space<vmem>> -> memref<1x40x128xf32, #tpu.memory_space<vmem>>
      %dma_wait3A_170 = tpu.memref_squeeze %dma_wait3A_169 : memref<1x40x128xf32, #tpu.memory_space<vmem>> -> memref<40x128xf32, #tpu.memory_space<vmem>>
      tpu.wait_dma2 semaphore(%run_scoped3A_146 : memref<!tpu.dma_semaphore, #tpu.memory_space<semaphore_mem>>) src(%dma_wait3A_170 : memref<40x128xf32, #tpu.memory_space<vmem>>) dst(%dma_wait3A_166 : memref<40x128xf32, #tpu.memory_space<vmem_shared>>)
      tpu.yield
    }) : () -> ()
    %mul3A_56 = arith.constant 624 : i32
    %mul3A_57 = arith.muli %arg1, %mul3A_56 : i32
    %add3A_58 = arith.constant 400 : i32
    %add3A_59 = arith.addi %mul3A_57, %add3A_58 : i32
    %run_scoped3A_60 = arith.constant 0 : i32
    "tpu.region"() ({
      %run_scoped3A_146 = tpu.sem_alloc : memref<!tpu.dma_semaphore, #tpu.memory_space<semaphore_mem>>
      %dma_start3A_147 = arith.constant 0 : i32
      %dma_start3A_148 = arith.constant 0 : i32
      %dma_start3A_149 = tpu.memref_slice %arg9[%run_scoped3A_60, %dma_start3A_147, %dma_start3A_148] : memref<2x40x128xf32, #tpu.memory_space<vmem>> -> memref<1x40x128xf32, #tpu.memory_space<vmem>>
      %dma_start3A_150 = tpu.memref_squeeze %dma_start3A_149 : memref<1x40x128xf32, #tpu.memory_space<vmem>> -> memref<40x128xf32, #tpu.memory_space<vmem>>
      %dma_start3A_151 = arith.constant 0 : i32
      %dma_start3A_152 = tpu.memref_slice %arg11[%add3A_59, %dma_start3A_151] : memref<10000x128xf32, #tpu.memory_space<vmem_shared>> -> memref<40x128xf32, #tpu.memory_space<vmem_shared>>
      %dma_start3A_153 = arith.constant 0 : i32
      %dma_start3A_154 = tpu.memref_slice %arg11[%add3A_59, %dma_start3A_153] : memref<10000x128xf32, #tpu.memory_space<vmem_shared>> -> memref<40x128xf32, #tpu.memory_space<vmem_shared>>
      %dma_start3A_155 = arith.constant 0 : i32
      %dma_start3A_156 = arith.constant 0 : i32
      %dma_start3A_157 = tpu.memref_slice %arg9[%run_scoped3A_60, %dma_start3A_155, %dma_start3A_156] : memref<2x40x128xf32, #tpu.memory_space<vmem>> -> memref<1x40x128xf32, #tpu.memory_space<vmem>>
      %dma_start3A_158 = tpu.memref_squeeze %dma_start3A_157 : memref<1x40x128xf32, #tpu.memory_space<vmem>> -> memref<40x128xf32, #tpu.memory_space<vmem>>
      tpu.enqueue_dma source(%dma_start3A_158 : memref<40x128xf32, #tpu.memory_space<vmem>>) target(%dma_start3A_154 : memref<40x128xf32, #tpu.memory_space<vmem_shared>>) target_semaphore(%run_scoped3A_146 : memref<!tpu.dma_semaphore, #tpu.memory_space<semaphore_mem>>)
      %dma_wait3A_159 = arith.constant 0 : i32
      %dma_wait3A_160 = arith.constant 0 : i32
      %dma_wait3A_161 = tpu.memref_slice %arg9[%run_scoped3A_60, %dma_wait3A_159, %dma_wait3A_160] : memref<2x40x128xf32, #tpu.memory_space<vmem>> -> memref<1x40x128xf32, #tpu.memory_space<vmem>>
      %dma_wait3A_162 = tpu.memref_squeeze %dma_wait3A_161 : memref<1x40x128xf32, #tpu.memory_space<vmem>> -> memref<40x128xf32, #tpu.memory_space<vmem>>
      %dma_wait3A_163 = arith.constant 0 : i32
      %dma_wait3A_164 = tpu.memref_slice %arg11[%add3A_59, %dma_wait3A_163] : memref<10000x128xf32, #tpu.memory_space<vmem_shared>> -> memref<40x128xf32, #tpu.memory_space<vmem_shared>>
      %dma_wait3A_165 = arith.constant 0 : i32
      %dma_wait3A_166 = tpu.memref_slice %arg11[%add3A_59, %dma_wait3A_165] : memref<10000x128xf32, #tpu.memory_space<vmem_shared>> -> memref<40x128xf32, #tpu.memory_space<vmem_shared>>
      %dma_wait3A_167 = arith.constant 0 : i32
      %dma_wait3A_168 = arith.constant 0 : i32
      %dma_wait3A_169 = tpu.memref_slice %arg9[%run_scoped3A_60, %dma_wait3A_167, %dma_wait3A_168] : memref<2x40x128xf32, #tpu.memory_space<vmem>> -> memref<1x40x128xf32, #tpu.memory_space<vmem>>
      %dma_wait3A_170 = tpu.memref_squeeze %dma_wait3A_169 : memref<1x40x128xf32, #tpu.memory_space<vmem>> -> memref<40x128xf32, #tpu.memory_space<vmem>>
      tpu.wait_dma2 semaphore(%run_scoped3A_146 : memref<!tpu.dma_semaphore, #tpu.memory_space<semaphore_mem>>) src(%dma_wait3A_170 : memref<40x128xf32, #tpu.memory_space<vmem>>) dst(%dma_wait3A_166 : memref<40x128xf32, #tpu.memory_space<vmem_shared>>)
      tpu.yield
    }) : () -> ()
    %mul3A_61 = arith.constant 624 : i32
    %mul3A_62 = arith.muli %arg1, %mul3A_61 : i32
    %add3A_63 = arith.constant 440 : i32
    %add3A_64 = arith.addi %mul3A_62, %add3A_63 : i32
    %run_scoped3A_65 = arith.constant 0 : i32
    "tpu.region"() ({
      %run_scoped3A_146 = tpu.sem_alloc : memref<!tpu.dma_semaphore, #tpu.memory_space<semaphore_mem>>
      %dma_start3A_147 = arith.constant 0 : i32
      %dma_start3A_148 = arith.constant 0 : i32
      %dma_start3A_149 = tpu.memref_slice %arg9[%run_scoped3A_65, %dma_start3A_147, %dma_start3A_148] : memref<2x40x128xf32, #tpu.memory_space<vmem>> -> memref<1x40x128xf32, #tpu.memory_space<vmem>>
      %dma_start3A_150 = tpu.memref_squeeze %dma_start3A_149 : memref<1x40x128xf32, #tpu.memory_space<vmem>> -> memref<40x128xf32, #tpu.memory_space<vmem>>
      %dma_start3A_151 = arith.constant 0 : i32
      %dma_start3A_152 = tpu.memref_slice %arg11[%add3A_64, %dma_start3A_151] : memref<10000x128xf32, #tpu.memory_space<vmem_shared>> -> memref<40x128xf32, #tpu.memory_space<vmem_shared>>
      %dma_start3A_153 = arith.constant 0 : i32
      %dma_start3A_154 = tpu.memref_slice %arg11[%add3A_64, %dma_start3A_153] : memref<10000x128xf32, #tpu.memory_space<vmem_shared>> -> memref<40x128xf32, #tpu.memory_space<vmem_shared>>
      %dma_start3A_155 = arith.constant 0 : i32
      %dma_start3A_156 = arith.constant 0 : i32
      %dma_start3A_157 = tpu.memref_slice %arg9[%run_scoped3A_65, %dma_start3A_155, %dma_start3A_156] : memref<2x40x128xf32, #tpu.memory_space<vmem>> -> memref<1x40x128xf32, #tpu.memory_space<vmem>>
      %dma_start3A_158 = tpu.memref_squeeze %dma_start3A_157 : memref<1x40x128xf32, #tpu.memory_space<vmem>> -> memref<40x128xf32, #tpu.memory_space<vmem>>
      tpu.enqueue_dma source(%dma_start3A_158 : memref<40x128xf32, #tpu.memory_space<vmem>>) target(%dma_start3A_154 : memref<40x128xf32, #tpu.memory_space<vmem_shared>>) target_semaphore(%run_scoped3A_146 : memref<!tpu.dma_semaphore, #tpu.memory_space<semaphore_mem>>)
      %dma_wait3A_159 = arith.constant 0 : i32
      %dma_wait3A_160 = arith.constant 0 : i32
      %dma_wait3A_161 = tpu.memref_slice %arg9[%run_scoped3A_65, %dma_wait3A_159, %dma_wait3A_160] : memref<2x40x128xf32, #tpu.memory_space<vmem>> -> memref<1x40x128xf32, #tpu.memory_space<vmem>>
      %dma_wait3A_162 = tpu.memref_squeeze %dma_wait3A_161 : memref<1x40x128xf32, #tpu.memory_space<vmem>> -> memref<40x128xf32, #tpu.memory_space<vmem>>
      %dma_wait3A_163 = arith.constant 0 : i32
      %dma_wait3A_164 = tpu.memref_slice %arg11[%add3A_64, %dma_wait3A_163] : memref<10000x128xf32, #tpu.memory_space<vmem_shared>> -> memref<40x128xf32, #tpu.memory_space<vmem_shared>>
      %dma_wait3A_165 = arith.constant 0 : i32
      %dma_wait3A_166 = tpu.memref_slice %arg11[%add3A_64, %dma_wait3A_165] : memref<10000x128xf32, #tpu.memory_space<vmem_shared>> -> memref<40x128xf32, #tpu.memory_space<vmem_shared>>
      %dma_wait3A_167 = arith.constant 0 : i32
      %dma_wait3A_168 = arith.constant 0 : i32
      %dma_wait3A_169 = tpu.memref_slice %arg9[%run_scoped3A_65, %dma_wait3A_167, %dma_wait3A_168] : memref<2x40x128xf32, #tpu.memory_space<vmem>> -> memref<1x40x128xf32, #tpu.memory_space<vmem>>
      %dma_wait3A_170 = tpu.memref_squeeze %dma_wait3A_169 : memref<1x40x128xf32, #tpu.memory_space<vmem>> -> memref<40x128xf32, #tpu.memory_space<vmem>>
      tpu.wait_dma2 semaphore(%run_scoped3A_146 : memref<!tpu.dma_semaphore, #tpu.memory_space<semaphore_mem>>) src(%dma_wait3A_170 : memref<40x128xf32, #tpu.memory_space<vmem>>) dst(%dma_wait3A_166 : memref<40x128xf32, #tpu.memory_space<vmem_shared>>)
      tpu.yield
    }) : () -> ()
    %mul3A_66 = arith.constant 624 : i32
    %mul3A_67 = arith.muli %arg1, %mul3A_66 : i32
    %add3A_68 = arith.constant 480 : i32
    %add3A_69 = arith.addi %mul3A_67, %add3A_68 : i32
    %run_scoped3A_70 = arith.constant 0 : i32
    "tpu.region"() ({
      %run_scoped3A_146 = tpu.sem_alloc : memref<!tpu.dma_semaphore, #tpu.memory_space<semaphore_mem>>
      %dma_start3A_147 = arith.constant 0 : i32
      %dma_start3A_148 = arith.constant 0 : i32
      %dma_start3A_149 = tpu.memref_slice %arg9[%run_scoped3A_70, %dma_start3A_147, %dma_start3A_148] : memref<2x40x128xf32, #tpu.memory_space<vmem>> -> memref<1x40x128xf32, #tpu.memory_space<vmem>>
      %dma_start3A_150 = tpu.memref_squeeze %dma_start3A_149 : memref<1x40x128xf32, #tpu.memory_space<vmem>> -> memref<40x128xf32, #tpu.memory_space<vmem>>
      %dma_start3A_151 = arith.constant 0 : i32
      %dma_start3A_152 = tpu.memref_slice %arg11[%add3A_69, %dma_start3A_151] : memref<10000x128xf32, #tpu.memory_space<vmem_shared>> -> memref<40x128xf32, #tpu.memory_space<vmem_shared>>
      %dma_start3A_153 = arith.constant 0 : i32
      %dma_start3A_154 = tpu.memref_slice %arg11[%add3A_69, %dma_start3A_153] : memref<10000x128xf32, #tpu.memory_space<vmem_shared>> -> memref<40x128xf32, #tpu.memory_space<vmem_shared>>
      %dma_start3A_155 = arith.constant 0 : i32
      %dma_start3A_156 = arith.constant 0 : i32
      %dma_start3A_157 = tpu.memref_slice %arg9[%run_scoped3A_70, %dma_start3A_155, %dma_start3A_156] : memref<2x40x128xf32, #tpu.memory_space<vmem>> -> memref<1x40x128xf32, #tpu.memory_space<vmem>>
      %dma_start3A_158 = tpu.memref_squeeze %dma_start3A_157 : memref<1x40x128xf32, #tpu.memory_space<vmem>> -> memref<40x128xf32, #tpu.memory_space<vmem>>
      tpu.enqueue_dma source(%dma_start3A_158 : memref<40x128xf32, #tpu.memory_space<vmem>>) target(%dma_start3A_154 : memref<40x128xf32, #tpu.memory_space<vmem_shared>>) target_semaphore(%run_scoped3A_146 : memref<!tpu.dma_semaphore, #tpu.memory_space<semaphore_mem>>)
      %dma_wait3A_159 = arith.constant 0 : i32
      %dma_wait3A_160 = arith.constant 0 : i32
      %dma_wait3A_161 = tpu.memref_slice %arg9[%run_scoped3A_70, %dma_wait3A_159, %dma_wait3A_160] : memref<2x40x128xf32, #tpu.memory_space<vmem>> -> memref<1x40x128xf32, #tpu.memory_space<vmem>>
      %dma_wait3A_162 = tpu.memref_squeeze %dma_wait3A_161 : memref<1x40x128xf32, #tpu.memory_space<vmem>> -> memref<40x128xf32, #tpu.memory_space<vmem>>
      %dma_wait3A_163 = arith.constant 0 : i32
      %dma_wait3A_164 = tpu.memref_slice %arg11[%add3A_69, %dma_wait3A_163] : memref<10000x128xf32, #tpu.memory_space<vmem_shared>> -> memref<40x128xf32, #tpu.memory_space<vmem_shared>>
      %dma_wait3A_165 = arith.constant 0 : i32
      %dma_wait3A_166 = tpu.memref_slice %arg11[%add3A_69, %dma_wait3A_165] : memref<10000x128xf32, #tpu.memory_space<vmem_shared>> -> memref<40x128xf32, #tpu.memory_space<vmem_shared>>
      %dma_wait3A_167 = arith.constant 0 : i32
      %dma_wait3A_168 = arith.constant 0 : i32
      %dma_wait3A_169 = tpu.memref_slice %arg9[%run_scoped3A_70, %dma_wait3A_167, %dma_wait3A_168] : memref<2x40x128xf32, #tpu.memory_space<vmem>> -> memref<1x40x128xf32, #tpu.memory_space<vmem>>
      %dma_wait3A_170 = tpu.memref_squeeze %dma_wait3A_169 : memref<1x40x128xf32, #tpu.memory_space<vmem>> -> memref<40x128xf32, #tpu.memory_space<vmem>>
      tpu.wait_dma2 semaphore(%run_scoped3A_146 : memref<!tpu.dma_semaphore, #tpu.memory_space<semaphore_mem>>) src(%dma_wait3A_170 : memref<40x128xf32, #tpu.memory_space<vmem>>) dst(%dma_wait3A_166 : memref<40x128xf32, #tpu.memory_space<vmem_shared>>)
      tpu.yield
    }) : () -> ()
    %mul3A_71 = arith.constant 624 : i32
    %mul3A_72 = arith.muli %arg1, %mul3A_71 : i32
    %add3A_73 = arith.constant 520 : i32
    %add3A_74 = arith.addi %mul3A_72, %add3A_73 : i32
    %run_scoped3A_75 = arith.constant 0 : i32
    "tpu.region"() ({
      %run_scoped3A_146 = tpu.sem_alloc : memref<!tpu.dma_semaphore, #tpu.memory_space<semaphore_mem>>
      %dma_start3A_147 = arith.constant 0 : i32
      %dma_start3A_148 = arith.constant 0 : i32
      %dma_start3A_149 = tpu.memref_slice %arg9[%run_scoped3A_75, %dma_start3A_147, %dma_start3A_148] : memref<2x40x128xf32, #tpu.memory_space<vmem>> -> memref<1x40x128xf32, #tpu.memory_space<vmem>>
      %dma_start3A_150 = tpu.memref_squeeze %dma_start3A_149 : memref<1x40x128xf32, #tpu.memory_space<vmem>> -> memref<40x128xf32, #tpu.memory_space<vmem>>
      %dma_start3A_151 = arith.constant 0 : i32
      %dma_start3A_152 = tpu.memref_slice %arg11[%add3A_74, %dma_start3A_151] : memref<10000x128xf32, #tpu.memory_space<vmem_shared>> -> memref<40x128xf32, #tpu.memory_space<vmem_shared>>
      %dma_start3A_153 = arith.constant 0 : i32
      %dma_start3A_154 = tpu.memref_slice %arg11[%add3A_74, %dma_start3A_153] : memref<10000x128xf32, #tpu.memory_space<vmem_shared>> -> memref<40x128xf32, #tpu.memory_space<vmem_shared>>
      %dma_start3A_155 = arith.constant 0 : i32
      %dma_start3A_156 = arith.constant 0 : i32
      %dma_start3A_157 = tpu.memref_slice %arg9[%run_scoped3A_75, %dma_start3A_155, %dma_start3A_156] : memref<2x40x128xf32, #tpu.memory_space<vmem>> -> memref<1x40x128xf32, #tpu.memory_space<vmem>>
      %dma_start3A_158 = tpu.memref_squeeze %dma_start3A_157 : memref<1x40x128xf32, #tpu.memory_space<vmem>> -> memref<40x128xf32, #tpu.memory_space<vmem>>
      tpu.enqueue_dma source(%dma_start3A_158 : memref<40x128xf32, #tpu.memory_space<vmem>>) target(%dma_start3A_154 : memref<40x128xf32, #tpu.memory_space<vmem_shared>>) target_semaphore(%run_scoped3A_146 : memref<!tpu.dma_semaphore, #tpu.memory_space<semaphore_mem>>)
      %dma_wait3A_159 = arith.constant 0 : i32
      %dma_wait3A_160 = arith.constant 0 : i32
      %dma_wait3A_161 = tpu.memref_slice %arg9[%run_scoped3A_75, %dma_wait3A_159, %dma_wait3A_160] : memref<2x40x128xf32, #tpu.memory_space<vmem>> -> memref<1x40x128xf32, #tpu.memory_space<vmem>>
      %dma_wait3A_162 = tpu.memref_squeeze %dma_wait3A_161 : memref<1x40x128xf32, #tpu.memory_space<vmem>> -> memref<40x128xf32, #tpu.memory_space<vmem>>
      %dma_wait3A_163 = arith.constant 0 : i32
      %dma_wait3A_164 = tpu.memref_slice %arg11[%add3A_74, %dma_wait3A_163] : memref<10000x128xf32, #tpu.memory_space<vmem_shared>> -> memref<40x128xf32, #tpu.memory_space<vmem_shared>>
      %dma_wait3A_165 = arith.constant 0 : i32
      %dma_wait3A_166 = tpu.memref_slice %arg11[%add3A_74, %dma_wait3A_165] : memref<10000x128xf32, #tpu.memory_space<vmem_shared>> -> memref<40x128xf32, #tpu.memory_space<vmem_shared>>
      %dma_wait3A_167 = arith.constant 0 : i32
      %dma_wait3A_168 = arith.constant 0 : i32
      %dma_wait3A_169 = tpu.memref_slice %arg9[%run_scoped3A_75, %dma_wait3A_167, %dma_wait3A_168] : memref<2x40x128xf32, #tpu.memory_space<vmem>> -> memref<1x40x128xf32, #tpu.memory_space<vmem>>
      %dma_wait3A_170 = tpu.memref_squeeze %dma_wait3A_169 : memref<1x40x128xf32, #tpu.memory_space<vmem>> -> memref<40x128xf32, #tpu.memory_space<vmem>>
      tpu.wait_dma2 semaphore(%run_scoped3A_146 : memref<!tpu.dma_semaphore, #tpu.memory_space<semaphore_mem>>) src(%dma_wait3A_170 : memref<40x128xf32, #tpu.memory_space<vmem>>) dst(%dma_wait3A_166 : memref<40x128xf32, #tpu.memory_space<vmem_shared>>)
      tpu.yield
    }) : () -> ()
    %mul3A_76 = arith.constant 624 : i32
    %mul3A_77 = arith.muli %arg1, %mul3A_76 : i32
    %add3A_78 = arith.constant 560 : i32
    %add3A_79 = arith.addi %mul3A_77, %add3A_78 : i32
    %run_scoped3A_80 = arith.constant 0 : i32
    "tpu.region"() ({
      %run_scoped3A_146 = tpu.sem_alloc : memref<!tpu.dma_semaphore, #tpu.memory_space<semaphore_mem>>
      %dma_start3A_147 = arith.constant 0 : i32
      %dma_start3A_148 = arith.constant 0 : i32
      %dma_start3A_149 = tpu.memref_slice %arg9[%run_scoped3A_80, %dma_start3A_147, %dma_start3A_148] : memref<2x40x128xf32, #tpu.memory_space<vmem>> -> memref<1x40x128xf32, #tpu.memory_space<vmem>>
      %dma_start3A_150 = tpu.memref_squeeze %dma_start3A_149 : memref<1x40x128xf32, #tpu.memory_space<vmem>> -> memref<40x128xf32, #tpu.memory_space<vmem>>
      %dma_start3A_151 = arith.constant 0 : i32
      %dma_start3A_152 = tpu.memref_slice %arg11[%add3A_79, %dma_start3A_151] : memref<10000x128xf32, #tpu.memory_space<vmem_shared>> -> memref<40x128xf32, #tpu.memory_space<vmem_shared>>
      %dma_start3A_153 = arith.constant 0 : i32
      %dma_start3A_154 = tpu.memref_slice %arg11[%add3A_79, %dma_start3A_153] : memref<10000x128xf32, #tpu.memory_space<vmem_shared>> -> memref<40x128xf32, #tpu.memory_space<vmem_shared>>
      %dma_start3A_155 = arith.constant 0 : i32
      %dma_start3A_156 = arith.constant 0 : i32
      %dma_start3A_157 = tpu.memref_slice %arg9[%run_scoped3A_80, %dma_start3A_155, %dma_start3A_156] : memref<2x40x128xf32, #tpu.memory_space<vmem>> -> memref<1x40x128xf32, #tpu.memory_space<vmem>>
      %dma_start3A_158 = tpu.memref_squeeze %dma_start3A_157 : memref<1x40x128xf32, #tpu.memory_space<vmem>> -> memref<40x128xf32, #tpu.memory_space<vmem>>
      tpu.enqueue_dma source(%dma_start3A_158 : memref<40x128xf32, #tpu.memory_space<vmem>>) target(%dma_start3A_154 : memref<40x128xf32, #tpu.memory_space<vmem_shared>>) target_semaphore(%run_scoped3A_146 : memref<!tpu.dma_semaphore, #tpu.memory_space<semaphore_mem>>)
      %dma_wait3A_159 = arith.constant 0 : i32
      %dma_wait3A_160 = arith.constant 0 : i32
      %dma_wait3A_161 = tpu.memref_slice %arg9[%run_scoped3A_80, %dma_wait3A_159, %dma_wait3A_160] : memref<2x40x128xf32, #tpu.memory_space<vmem>> -> memref<1x40x128xf32, #tpu.memory_space<vmem>>
      %dma_wait3A_162 = tpu.memref_squeeze %dma_wait3A_161 : memref<1x40x128xf32, #tpu.memory_space<vmem>> -> memref<40x128xf32, #tpu.memory_space<vmem>>
      %dma_wait3A_163 = arith.constant 0 : i32
      %dma_wait3A_164 = tpu.memref_slice %arg11[%add3A_79, %dma_wait3A_163] : memref<10000x128xf32, #tpu.memory_space<vmem_shared>> -> memref<40x128xf32, #tpu.memory_space<vmem_shared>>
      %dma_wait3A_165 = arith.constant 0 : i32
      %dma_wait3A_166 = tpu.memref_slice %arg11[%add3A_79, %dma_wait3A_165] : memref<10000x128xf32, #tpu.memory_space<vmem_shared>> -> memref<40x128xf32, #tpu.memory_space<vmem_shared>>
      %dma_wait3A_167 = arith.constant 0 : i32
      %dma_wait3A_168 = arith.constant 0 : i32
      %dma_wait3A_169 = tpu.memref_slice %arg9[%run_scoped3A_80, %dma_wait3A_167, %dma_wait3A_168] : memref<2x40x128xf32, #tpu.memory_space<vmem>> -> memref<1x40x128xf32, #tpu.memory_space<vmem>>
      %dma_wait3A_170 = tpu.memref_squeeze %dma_wait3A_169 : memref<1x40x128xf32, #tpu.memory_space<vmem>> -> memref<40x128xf32, #tpu.memory_space<vmem>>
      tpu.wait_dma2 semaphore(%run_scoped3A_146 : memref<!tpu.dma_semaphore, #tpu.memory_space<semaphore_mem>>) src(%dma_wait3A_170 : memref<40x128xf32, #tpu.memory_space<vmem>>) dst(%dma_wait3A_166 : memref<40x128xf32, #tpu.memory_space<vmem_shared>>)
      tpu.yield
    }) : () -> ()
    %mul3A_81 = arith.constant 624 : i32
    %mul3A_82 = arith.muli %arg1, %mul3A_81 : i32
    %add3A_83 = arith.constant 600 : i32
    %add3A_84 = arith.addi %mul3A_82, %add3A_83 : i32
    %run_scoped3A_85 = arith.constant 0 : i32
    "tpu.region"() ({
      %run_scoped3A_146 = tpu.sem_alloc : memref<!tpu.dma_semaphore, #tpu.memory_space<semaphore_mem>>
      %dma_start3A_147 = arith.constant 0 : i32
      %dma_start3A_148 = arith.constant 0 : i32
      %dma_start3A_149 = tpu.memref_slice %arg9[%run_scoped3A_85, %dma_start3A_147, %dma_start3A_148] : memref<2x40x128xf32, #tpu.memory_space<vmem>> -> memref<1x24x128xf32, #tpu.memory_space<vmem>>
      %dma_start3A_150 = tpu.memref_squeeze %dma_start3A_149 : memref<1x24x128xf32, #tpu.memory_space<vmem>> -> memref<24x128xf32, #tpu.memory_space<vmem>>
      %dma_start3A_151 = arith.constant 0 : i32
      %dma_start3A_152 = tpu.memref_slice %arg11[%add3A_84, %dma_start3A_151] : memref<10000x128xf32, #tpu.memory_space<vmem_shared>> -> memref<24x128xf32, #tpu.memory_space<vmem_shared>>
      %dma_start3A_153 = arith.constant 0 : i32
      %dma_start3A_154 = tpu.memref_slice %arg11[%add3A_84, %dma_start3A_153] : memref<10000x128xf32, #tpu.memory_space<vmem_shared>> -> memref<24x128xf32, #tpu.memory_space<vmem_shared>>
      %dma_start3A_155 = arith.constant 0 : i32
      %dma_start3A_156 = arith.constant 0 : i32
      %dma_start3A_157 = tpu.memref_slice %arg9[%run_scoped3A_85, %dma_start3A_155, %dma_start3A_156] : memref<2x40x128xf32, #tpu.memory_space<vmem>> -> memref<1x24x128xf32, #tpu.memory_space<vmem>>
      %dma_start3A_158 = tpu.memref_squeeze %dma_start3A_157 : memref<1x24x128xf32, #tpu.memory_space<vmem>> -> memref<24x128xf32, #tpu.memory_space<vmem>>
      tpu.enqueue_dma source(%dma_start3A_158 : memref<24x128xf32, #tpu.memory_space<vmem>>) target(%dma_start3A_154 : memref<24x128xf32, #tpu.memory_space<vmem_shared>>) target_semaphore(%run_scoped3A_146 : memref<!tpu.dma_semaphore, #tpu.memory_space<semaphore_mem>>)
      %dma_wait3A_159 = arith.constant 0 : i32
      %dma_wait3A_160 = arith.constant 0 : i32
      %dma_wait3A_161 = tpu.memref_slice %arg9[%run_scoped3A_85, %dma_wait3A_159, %dma_wait3A_160] : memref<2x40x128xf32, #tpu.memory_space<vmem>> -> memref<1x24x128xf32, #tpu.memory_space<vmem>>
      %dma_wait3A_162 = tpu.memref_squeeze %dma_wait3A_161 : memref<1x24x128xf32, #tpu.memory_space<vmem>> -> memref<24x128xf32, #tpu.memory_space<vmem>>
      %dma_wait3A_163 = arith.constant 0 : i32
      %dma_wait3A_164 = tpu.memref_slice %arg11[%add3A_84, %dma_wait3A_163] : memref<10000x128xf32, #tpu.memory_space<vmem_shared>> -> memref<24x128xf32, #tpu.memory_space<vmem_shared>>
      %dma_wait3A_165 = arith.constant 0 : i32
      %dma_wait3A_166 = tpu.memref_slice %arg11[%add3A_84, %dma_wait3A_165] : memref<10000x128xf32, #tpu.memory_space<vmem_shared>> -> memref<24x128xf32, #tpu.memory_space<vmem_shared>>
      %dma_wait3A_167 = arith.constant 0 : i32
      %dma_wait3A_168 = arith.constant 0 : i32
      %dma_wait3A_169 = tpu.memref_slice %arg9[%run_scoped3A_85, %dma_wait3A_167, %dma_wait3A_168] : memref<2x40x128xf32, #tpu.memory_space<vmem>> -> memref<1x24x128xf32, #tpu.memory_space<vmem>>
      %dma_wait3A_170 = tpu.memref_squeeze %dma_wait3A_169 : memref<1x24x128xf32, #tpu.memory_space<vmem>> -> memref<24x128xf32, #tpu.memory_space<vmem>>
      tpu.wait_dma2 semaphore(%run_scoped3A_146 : memref<!tpu.dma_semaphore, #tpu.memory_space<semaphore_mem>>) src(%dma_wait3A_170 : memref<24x128xf32, #tpu.memory_space<vmem>>) dst(%dma_wait3A_166 : memref<24x128xf32, #tpu.memory_space<vmem_shared>>)
      tpu.yield
    }) : () -> ()
    %eq3A = arith.constant 15 : i32
    %eq3A_86 = arith.cmpi eq, %arg1, %eq3A : i32
    %convert_element_type3A = arith.extui %eq3A_86 : i1 to i32
    %cond3A = arith.constant 0 : i32
    %cond3A_87 = arith.cmpi ne, %convert_element_type3A, %cond3A : i32
    scf.if %cond3A_87 {
      %run_scoped3A_146 = arith.constant 0 : i32
      "tpu.region"() ({
        %run_scoped3A_147 = tpu.sem_alloc : memref<!tpu.dma_semaphore, #tpu.memory_space<semaphore_mem>>
        %dma_start3A_148 = arith.constant 0 : i32
        %dma_start3A_149 = arith.constant 0 : i32
        %dma_start3A_150 = tpu.memref_slice %arg9[%run_scoped3A_146, %dma_start3A_148, %dma_start3A_149] : memref<2x40x128xf32, #tpu.memory_space<vmem>> -> memref<1x16x128xf32, #tpu.memory_space<vmem>>
        %dma_start3A_151 = tpu.memref_squeeze %dma_start3A_150 : memref<1x16x128xf32, #tpu.memory_space<vmem>> -> memref<16x128xf32, #tpu.memory_space<vmem>>
        %dma_start3A_152 = arith.constant 9984 : i32
        %dma_start3A_153 = arith.constant 0 : i32
        %dma_start3A_154 = tpu.memref_slice %arg11[%dma_start3A_152, %dma_start3A_153] : memref<10000x128xf32, #tpu.memory_space<vmem_shared>> -> memref<16x128xf32, #tpu.memory_space<vmem_shared>>
        %dma_start3A_155 = arith.constant 9984 : i32
        %dma_start3A_156 = arith.constant 0 : i32
        %dma_start3A_157 = tpu.memref_slice %arg11[%dma_start3A_155, %dma_start3A_156] : memref<10000x128xf32, #tpu.memory_space<vmem_shared>> -> memref<16x128xf32, #tpu.memory_space<vmem_shared>>
        %dma_start3A_158 = arith.constant 0 : i32
        %dma_start3A_159 = arith.constant 0 : i32
        %dma_start3A_160 = tpu.memref_slice %arg9[%run_scoped3A_146, %dma_start3A_158, %dma_start3A_159] : memref<2x40x128xf32, #tpu.memory_space<vmem>> -> memref<1x16x128xf32, #tpu.memory_space<vmem>>
        %dma_start3A_161 = tpu.memref_squeeze %dma_start3A_160 : memref<1x16x128xf32, #tpu.memory_space<vmem>> -> memref<16x128xf32, #tpu.memory_space<vmem>>
        tpu.enqueue_dma source(%dma_start3A_161 : memref<16x128xf32, #tpu.memory_space<vmem>>) target(%dma_start3A_157 : memref<16x128xf32, #tpu.memory_space<vmem_shared>>) target_semaphore(%run_scoped3A_147 : memref<!tpu.dma_semaphore, #tpu.memory_space<semaphore_mem>>)
        %dma_wait3A_162 = arith.constant 0 : i32
        %dma_wait3A_163 = arith.constant 0 : i32
        %dma_wait3A_164 = tpu.memref_slice %arg9[%run_scoped3A_146, %dma_wait3A_162, %dma_wait3A_163] : memref<2x40x128xf32, #tpu.memory_space<vmem>> -> memref<1x16x128xf32, #tpu.memory_space<vmem>>
        %dma_wait3A_165 = tpu.memref_squeeze %dma_wait3A_164 : memref<1x16x128xf32, #tpu.memory_space<vmem>> -> memref<16x128xf32, #tpu.memory_space<vmem>>
        %dma_wait3A_166 = arith.constant 9984 : i32
        %dma_wait3A_167 = arith.constant 0 : i32
        %dma_wait3A_168 = tpu.memref_slice %arg11[%dma_wait3A_166, %dma_wait3A_167] : memref<10000x128xf32, #tpu.memory_space<vmem_shared>> -> memref<16x128xf32, #tpu.memory_space<vmem_shared>>
        %dma_wait3A_169 = arith.constant 9984 : i32
        %dma_wait3A_170 = arith.constant 0 : i32
        %dma_wait3A_171 = tpu.memref_slice %arg11[%dma_wait3A_169, %dma_wait3A_170] : memref<10000x128xf32, #tpu.memory_space<vmem_shared>> -> memref<16x128xf32, #tpu.memory_space<vmem_shared>>
        %dma_wait3A_172 = arith.constant 0 : i32
        %dma_wait3A_173 = arith.constant 0 : i32
        %dma_wait3A_174 = tpu.memref_slice %arg9[%run_scoped3A_146, %dma_wait3A_172, %dma_wait3A_173] : memref<2x40x128xf32, #tpu.memory_space<vmem>> -> memref<1x16x128xf32, #tpu.memory_space<vmem>>
        %dma_wait3A_175 = tpu.memref_squeeze %dma_wait3A_174 : memref<1x16x128xf32, #tpu.memory_space<vmem>> -> memref<16x128xf32, #tpu.memory_space<vmem>>
        tpu.wait_dma2 semaphore(%run_scoped3A_147 : memref<!tpu.dma_semaphore, #tpu.memory_space<semaphore_mem>>) src(%dma_wait3A_175 : memref<16x128xf32, #tpu.memory_space<vmem>>) dst(%dma_wait3A_171 : memref<16x128xf32, #tpu.memory_space<vmem_shared>>)
        tpu.yield
      }) : () -> ()
    } else {
    }
    "tpu.region"() ({
      %run_scoped3A_146 = tpu.sem_alloc : memref<!tpu.dma_semaphore, #tpu.memory_space<semaphore_mem>>
      %dma_start3A_147 = arith.constant 0 : i32
      %dma_start3A_148 = tpu.memref_slice %arg4[%add3A, %dma_start3A_147] : memref<32x10000xi32, #tpu.memory_space<hbm>> -> memref<1x10000xi32, #tpu.memory_space<hbm>>
      %dma_start3A_149 = tpu.memref_squeeze %dma_start3A_148 : memref<1x10000xi32, #tpu.memory_space<hbm>> -> memref<10000xi32, #tpu.memory_space<hbm>>
      %dma_start3A_150 = arith.constant 0 : i32
      %dma_start3A_151 = tpu.memref_slice %arg4[%add3A, %dma_start3A_150] : memref<32x10000xi32, #tpu.memory_space<hbm>> -> memref<1x10000xi32, #tpu.memory_space<hbm>>
      %dma_start3A_152 = tpu.memref_squeeze %dma_start3A_151 : memref<1x10000xi32, #tpu.memory_space<hbm>> -> memref<10000xi32, #tpu.memory_space<hbm>>
      tpu.enqueue_dma source(%dma_start3A_152 : memref<10000xi32, #tpu.memory_space<hbm>>) target(%arg7 : memref<10000xi32, #tpu.memory_space<vmem>>) target_semaphore(%run_scoped3A_146 : memref<!tpu.dma_semaphore, #tpu.memory_space<semaphore_mem>>)
      %dma_wait3A_153 = arith.constant 0 : i32
      %dma_wait3A_154 = tpu.memref_slice %arg4[%add3A, %dma_wait3A_153] : memref<32x10000xi32, #tpu.memory_space<hbm>> -> memref<1x10000xi32, #tpu.memory_space<hbm>>
      %dma_wait3A_155 = tpu.memref_squeeze %dma_wait3A_154 : memref<1x10000xi32, #tpu.memory_space<hbm>> -> memref<10000xi32, #tpu.memory_space<hbm>>
      %dma_wait3A_156 = arith.constant 0 : i32
      %dma_wait3A_157 = tpu.memref_slice %arg4[%add3A, %dma_wait3A_156] : memref<32x10000xi32, #tpu.memory_space<hbm>> -> memref<1x10000xi32, #tpu.memory_space<hbm>>
      %dma_wait3A_158 = tpu.memref_squeeze %dma_wait3A_157 : memref<1x10000xi32, #tpu.memory_space<hbm>> -> memref<10000xi32, #tpu.memory_space<hbm>>
      tpu.wait_dma2 semaphore(%run_scoped3A_146 : memref<!tpu.dma_semaphore, #tpu.memory_space<semaphore_mem>>) src(%dma_wait3A_158 : memref<10000xi32, #tpu.memory_space<hbm>>) dst(%arg7 : memref<10000xi32, #tpu.memory_space<vmem>>)
      tpu.yield
    }) : () -> ()
    "tpu.region"() ({
      %run_scoped3A_146 = tpu.sem_alloc : memref<!tpu.dma_semaphore, #tpu.memory_space<semaphore_mem>>
      %dma_start3A_147 = arith.constant 0 : i32
      %dma_start3A_148 = tpu.memref_slice %arg5[%add3A, %dma_start3A_147] : memref<32x10000xi32, #tpu.memory_space<hbm>> -> memref<1x10000xi32, #tpu.memory_space<hbm>>
      %dma_start3A_149 = tpu.memref_squeeze %dma_start3A_148 : memref<1x10000xi32, #tpu.memory_space<hbm>> -> memref<10000xi32, #tpu.memory_space<hbm>>
      %dma_start3A_150 = arith.constant 0 : i32
      %dma_start3A_151 = tpu.memref_slice %arg5[%add3A, %dma_start3A_150] : memref<32x10000xi32, #tpu.memory_space<hbm>> -> memref<1x10000xi32, #tpu.memory_space<hbm>>
      %dma_start3A_152 = tpu.memref_squeeze %dma_start3A_151 : memref<1x10000xi32, #tpu.memory_space<hbm>> -> memref<10000xi32, #tpu.memory_space<hbm>>
      tpu.enqueue_dma source(%dma_start3A_152 : memref<10000xi32, #tpu.memory_space<hbm>>) target(%arg8 : memref<10000xi32, #tpu.memory_space<vmem>>) target_semaphore(%run_scoped3A_146 : memref<!tpu.dma_semaphore, #tpu.memory_space<semaphore_mem>>)
      %dma_wait3A_153 = arith.constant 0 : i32
      %dma_wait3A_154 = tpu.memref_slice %arg5[%add3A, %dma_wait3A_153] : memref<32x10000xi32, #tpu.memory_space<hbm>> -> memref<1x10000xi32, #tpu.memory_space<hbm>>
      %dma_wait3A_155 = tpu.memref_squeeze %dma_wait3A_154 : memref<1x10000xi32, #tpu.memory_space<hbm>> -> memref<10000xi32, #tpu.memory_space<hbm>>
      %dma_wait3A_156 = arith.constant 0 : i32
      %dma_wait3A_157 = tpu.memref_slice %arg5[%add3A, %dma_wait3A_156] : memref<32x10000xi32, #tpu.memory_space<hbm>> -> memref<1x10000xi32, #tpu.memory_space<hbm>>
      %dma_wait3A_158 = tpu.memref_squeeze %dma_wait3A_157 : memref<1x10000xi32, #tpu.memory_space<hbm>> -> memref<10000xi32, #tpu.memory_space<hbm>>
      tpu.wait_dma2 semaphore(%run_scoped3A_146 : memref<!tpu.dma_semaphore, #tpu.memory_space<semaphore_mem>>) src(%dma_wait3A_158 : memref<10000xi32, #tpu.memory_space<hbm>>) dst(%arg8 : memref<10000xi32, #tpu.memory_space<vmem>>)
      tpu.yield
    }) : () -> ()
    %barrier3A = arith.constant 0 : index
    tpu.barrier barrier_id(%barrier3A)
    %dma_start3A = arith.constant 0 : i32
    %dma_start3A_88 = arith.constant 0 : i32
    %dma_start3A_89 = arith.constant 0 : i32
    %dma_start3A_90 = arith.constant 0 : i32
    %dma_start3A_91 = tpu.memref_slice %arg9[%dma_start3A, %dma_start3A_89, %dma_start3A_90] : memref<2x40x128xf32, #tpu.memory_space<vmem>> -> memref<1x40x128xf32, #tpu.memory_space<vmem>>
    %dma_start3A_92 = tpu.memref_squeeze %dma_start3A_91 : memref<1x40x128xf32, #tpu.memory_space<vmem>> -> memref<40x128xf32, #tpu.memory_space<vmem>>
    %dma_start3A_93 = arith.constant 0 : i32
    %dma_start3A_94 = tpu.memref_slice %arg7[%dma_start3A_93] : memref<10000xi32, #tpu.memory_space<vmem>> -> memref<40xi32, #tpu.memory_space<vmem>>
    %dma_start3A_95 = arith.constant 0 : i32
    %dma_start3A_96 = arith.constant 0 : i32
    %dma_start3A_97 = tpu.memref_slice %arg2[%dma_start3A_95, %dma_start3A_96] : memref<10000x128xf32, #tpu.memory_space<hbm>> -> memref<10000x128xf32, #tpu.memory_space<hbm>>
    %dma_start3A_98 = tpu.memref_slice %arg12[%dma_start3A_88] : memref<2x!tpu.dma_semaphore, #tpu.memory_space<semaphore_mem>> -> memref<1x!tpu.dma_semaphore, #tpu.memory_space<semaphore_mem>>
    %dma_start3A_99 = tpu.memref_squeeze %dma_start3A_98 : memref<1x!tpu.dma_semaphore, #tpu.memory_space<semaphore_mem>> -> memref<!tpu.dma_semaphore, #tpu.memory_space<semaphore_mem>>
    tpu.enqueue_indirect_dma source(%dma_start3A_97 : memref<10000x128xf32, #tpu.memory_space<hbm>>) target(%dma_start3A_92 : memref<40x128xf32, #tpu.memory_space<vmem>>) offsets(%dma_start3A_94 : memref<40xi32, #tpu.memory_space<vmem>>) semaphore(%dma_start3A_99 : memref<!tpu.dma_semaphore, #tpu.memory_space<semaphore_mem>>)
    %mul3A_100 = arith.constant 250 : i32
    %mul3A_101 = arith.muli %add3A, %mul3A_100 : i32
    %add3A_102 = arith.constant 0 : i32
    %add3A_103 = arith.addi %mul3A_101, %add3A_102 : i32
    %mul3A_104 = arith.constant 40 : i32
    %mul3A_105 = arith.muli %add3A_103, %mul3A_104 : i32
    %mul3A_106 = arith.constant 128 : i32
    %mul3A_107 = arith.muli %mul3A_105, %mul3A_106 : i32
    %dma_start3A_108 = arith.constant 0 : i32
    %dma_start3A_109 = arith.constant 0 : i32
    %dma_start3A_110 = tpu.memref_slice %arg10[%dma_start3A_109] : memref<10240xf32, #tpu.memory_space<vmem>> -> memref<5120xf32, #tpu.memory_space<vmem>>
    %dma_start3A_111 = tpu.memref_slice %arg3[%mul3A_107] : memref<40960000xf32, #tpu.memory_space<hbm>> -> memref<5120xf32, #tpu.memory_space<hbm>>
    %dma_start3A_112 = tpu.memref_slice %arg13[%dma_start3A_108] : memref<2x!tpu.dma_semaphore, #tpu.memory_space<semaphore_mem>> -> memref<1x!tpu.dma_semaphore, #tpu.memory_space<semaphore_mem>>
    %dma_start3A_113 = tpu.memref_squeeze %dma_start3A_112 : memref<1x!tpu.dma_semaphore, #tpu.memory_space<semaphore_mem>> -> memref<!tpu.dma_semaphore, #tpu.memory_space<semaphore_mem>>
    %dma_start3A_114 = arith.constant 0 : i32
    %dma_start3A_115 = tpu.memref_slice %arg10[%dma_start3A_114] : memref<10240xf32, #tpu.memory_space<vmem>> -> memref<5120xf32, #tpu.memory_space<vmem>>
    %dma_start3A_116 = tpu.memref_slice %arg3[%mul3A_107] : memref<40960000xf32, #tpu.memory_space<hbm>> -> memref<5120xf32, #tpu.memory_space<hbm>>
    tpu.enqueue_dma source(%dma_start3A_116 : memref<5120xf32, #tpu.memory_space<hbm>>) target(%dma_start3A_115 : memref<5120xf32, #tpu.memory_space<vmem>>) target_semaphore(%dma_start3A_113 : memref<!tpu.dma_semaphore, #tpu.memory_space<semaphore_mem>>)
    %scan3A_117 = arith.constant 0 : i32
    %scan3A_118 = arith.constant 0 : i32
    %scan3A_119 = arith.constant 125 : i32
    %scan3A_120 = arith.addi %scan3A_118, %scan3A_119 : i32
    %scan3A_121 = arith.constant 1 : i32
    %scan3A_122 = scf.for %scan3A_146 = %scan3A_118 to %scan3A_120 step %scan3A_121 iter_args(%scan3A_147 = %scan3A_117) -> (i32)  : i32 {
      %mul3A_148 = arith.constant 2 : i32
      %mul3A_149 = arith.muli %scan3A_146, %mul3A_148 : i32
      %add3A_150 = arith.constant 0 : i32
      %add3A_151 = arith.addi %mul3A_149, %add3A_150 : i32
      %ge3A = arith.constant 1 : i32
      %ge3A_152 = arith.cmpi sge, %scan3A_146, %ge3A : i32
      %convert_element_type3A_153 = arith.extui %ge3A_152 : i1 to i32
      %cond3A_154 = arith.constant 0 : i32
      %cond3A_155 = arith.cmpi ne, %convert_element_type3A_153, %cond3A_154 : i32
      scf.if %cond3A_155 {
        %sub3A_314 = arith.constant 1 : i32
        %sub3A_315 = arith.subi %add3A_151, %sub3A_314 : i32
        %mul3A_316 = arith.constant 40 : i32
        %mul3A_317 = arith.muli %sub3A_315, %mul3A_316 : i32
        %dma_wait3A_318 = arith.constant 1 : i32
        %dma_wait3A_319 = arith.constant 1 : i32
        %dma_wait3A_320 = arith.constant 0 : i32
        %dma_wait3A_321 = arith.constant 0 : i32
        %dma_wait3A_322 = tpu.memref_slice %arg9[%dma_wait3A_318, %dma_wait3A_320, %dma_wait3A_321] : memref<2x40x128xf32, #tpu.memory_space<vmem>> -> memref<1x40x128xf32, #tpu.memory_space<vmem>>
        %dma_wait3A_323 = tpu.memref_squeeze %dma_wait3A_322 : memref<1x40x128xf32, #tpu.memory_space<vmem>> -> memref<40x128xf32, #tpu.memory_space<vmem>>
        %dma_wait3A_324 = tpu.memref_slice %arg8[%mul3A_317] : memref<10000xi32, #tpu.memory_space<vmem>> -> memref<40xi32, #tpu.memory_space<vmem>>
        %dma_wait3A_325 = arith.constant 0 : i32
        %dma_wait3A_326 = arith.constant 0 : i32
        %dma_wait3A_327 = tpu.memref_slice %arg11[%dma_wait3A_325, %dma_wait3A_326] : memref<10000x128xf32, #tpu.memory_space<vmem_shared>> -> memref<10000x128xf32, #tpu.memory_space<vmem_shared>>
        %dma_wait3A_328 = tpu.memref_slice %arg14[%dma_wait3A_319] : memref<2x!tpu.dma_semaphore, #tpu.memory_space<semaphore_mem>> -> memref<1x!tpu.dma_semaphore, #tpu.memory_space<semaphore_mem>>
        %dma_wait3A_329 = tpu.memref_squeeze %dma_wait3A_328 : memref<1x!tpu.dma_semaphore, #tpu.memory_space<semaphore_mem>> -> memref<!tpu.dma_semaphore, #tpu.memory_space<semaphore_mem>>
        tpu.wait_indirect_dma semaphore(%dma_wait3A_329 : memref<!tpu.dma_semaphore, #tpu.memory_space<semaphore_mem>>) src(%dma_wait3A_323 : memref<40x128xf32, #tpu.memory_space<vmem>>) dst(%dma_wait3A_327 : memref<10000x128xf32, #tpu.memory_space<vmem_shared>>)
      } else {
      }
      %add3A_156 = arith.constant 1 : i32
      %add3A_157 = arith.addi %add3A_151, %add3A_156 : i32
      %mul3A_158 = arith.constant 40 : i32
      %mul3A_159 = arith.muli %add3A_157, %mul3A_158 : i32
      %dma_start3A_160 = arith.constant 1 : i32
      %dma_start3A_161 = arith.constant 1 : i32
      %dma_start3A_162 = arith.constant 0 : i32
      %dma_start3A_163 = arith.constant 0 : i32
      %dma_start3A_164 = tpu.memref_slice %arg9[%dma_start3A_160, %dma_start3A_162, %dma_start3A_163] : memref<2x40x128xf32, #tpu.memory_space<vmem>> -> memref<1x40x128xf32, #tpu.memory_space<vmem>>
      %dma_start3A_165 = tpu.memref_squeeze %dma_start3A_164 : memref<1x40x128xf32, #tpu.memory_space<vmem>> -> memref<40x128xf32, #tpu.memory_space<vmem>>
      %dma_start3A_166 = tpu.memref_slice %arg7[%mul3A_159] : memref<10000xi32, #tpu.memory_space<vmem>> -> memref<40xi32, #tpu.memory_space<vmem>>
      %dma_start3A_167 = arith.constant 0 : i32
      %dma_start3A_168 = arith.constant 0 : i32
      %dma_start3A_169 = tpu.memref_slice %arg2[%dma_start3A_167, %dma_start3A_168] : memref<10000x128xf32, #tpu.memory_space<hbm>> -> memref<10000x128xf32, #tpu.memory_space<hbm>>
      %dma_start3A_170 = tpu.memref_slice %arg12[%dma_start3A_161] : memref<2x!tpu.dma_semaphore, #tpu.memory_space<semaphore_mem>> -> memref<1x!tpu.dma_semaphore, #tpu.memory_space<semaphore_mem>>
      %dma_start3A_171 = tpu.memref_squeeze %dma_start3A_170 : memref<1x!tpu.dma_semaphore, #tpu.memory_space<semaphore_mem>> -> memref<!tpu.dma_semaphore, #tpu.memory_space<semaphore_mem>>
      tpu.enqueue_indirect_dma source(%dma_start3A_169 : memref<10000x128xf32, #tpu.memory_space<hbm>>) target(%dma_start3A_165 : memref<40x128xf32, #tpu.memory_space<vmem>>) offsets(%dma_start3A_166 : memref<40xi32, #tpu.memory_space<vmem>>) semaphore(%dma_start3A_171 : memref<!tpu.dma_semaphore, #tpu.memory_space<semaphore_mem>>)
      %mul3A_172 = arith.constant 250 : i32
      %mul3A_173 = arith.muli %add3A, %mul3A_172 : i32
      %add3A_174 = arith.addi %mul3A_173, %add3A_157 : i32
      %mul3A_175 = arith.constant 40 : i32
      %mul3A_176 = arith.muli %add3A_174, %mul3A_175 : i32
      %mul3A_177 = arith.constant 128 : i32
      %mul3A_178 = arith.muli %mul3A_176, %mul3A_177 : i32
      %dma_start3A_179 = arith.constant 1 : i32
      %dma_start3A_180 = arith.constant 5120 : i32
      %dma_start3A_181 = tpu.memref_slice %arg10[%dma_start3A_180] : memref<10240xf32, #tpu.memory_space<vmem>> -> memref<5120xf32, #tpu.memory_space<vmem>>
      %dma_start3A_182 = tpu.memref_slice %arg3[%mul3A_178] : memref<40960000xf32, #tpu.memory_space<hbm>> -> memref<5120xf32, #tpu.memory_space<hbm>>
      %dma_start3A_183 = tpu.memref_slice %arg13[%dma_start3A_179] : memref<2x!tpu.dma_semaphore, #tpu.memory_space<semaphore_mem>> -> memref<1x!tpu.dma_semaphore, #tpu.memory_space<semaphore_mem>>
      %dma_start3A_184 = tpu.memref_squeeze %dma_start3A_183 : memref<1x!tpu.dma_semaphore, #tpu.memory_space<semaphore_mem>> -> memref<!tpu.dma_semaphore, #tpu.memory_space<semaphore_mem>>
      %dma_start3A_185 = arith.constant 5120 : i32
      %dma_start3A_186 = tpu.memref_slice %arg10[%dma_start3A_185] : memref<10240xf32, #tpu.memory_space<vmem>> -> memref<5120xf32, #tpu.memory_space<vmem>>
      %dma_start3A_187 = tpu.memref_slice %arg3[%mul3A_178] : memref<40960000xf32, #tpu.memory_space<hbm>> -> memref<5120xf32, #tpu.memory_space<hbm>>
      tpu.enqueue_dma source(%dma_start3A_187 : memref<5120xf32, #tpu.memory_space<hbm>>) target(%dma_start3A_186 : memref<5120xf32, #tpu.memory_space<vmem>>) target_semaphore(%dma_start3A_184 : memref<!tpu.dma_semaphore, #tpu.memory_space<semaphore_mem>>)
      %mul3A_188 = arith.constant 40 : i32
      %mul3A_189 = arith.muli %add3A_151, %mul3A_188 : i32
      %dma_wait3A_190 = arith.constant 0 : i32
      %dma_wait3A_191 = arith.constant 0 : i32
      %dma_wait3A_192 = arith.constant 0 : i32
      %dma_wait3A_193 = arith.constant 0 : i32
      %dma_wait3A_194 = tpu.memref_slice %arg9[%dma_wait3A_190, %dma_wait3A_192, %dma_wait3A_193] : memref<2x40x128xf32, #tpu.memory_space<vmem>> -> memref<1x40x128xf32, #tpu.memory_space<vmem>>
      %dma_wait3A_195 = tpu.memref_squeeze %dma_wait3A_194 : memref<1x40x128xf32, #tpu.memory_space<vmem>> -> memref<40x128xf32, #tpu.memory_space<vmem>>
      %dma_wait3A_196 = tpu.memref_slice %arg7[%mul3A_189] : memref<10000xi32, #tpu.memory_space<vmem>> -> memref<40xi32, #tpu.memory_space<vmem>>
      %dma_wait3A_197 = arith.constant 0 : i32
      %dma_wait3A_198 = arith.constant 0 : i32
      %dma_wait3A_199 = tpu.memref_slice %arg2[%dma_wait3A_197, %dma_wait3A_198] : memref<10000x128xf32, #tpu.memory_space<hbm>> -> memref<10000x128xf32, #tpu.memory_space<hbm>>
      %dma_wait3A_200 = tpu.memref_slice %arg12[%dma_wait3A_191] : memref<2x!tpu.dma_semaphore, #tpu.memory_space<semaphore_mem>> -> memref<1x!tpu.dma_semaphore, #tpu.memory_space<semaphore_mem>>
      %dma_wait3A_201 = tpu.memref_squeeze %dma_wait3A_200 : memref<1x!tpu.dma_semaphore, #tpu.memory_space<semaphore_mem>> -> memref<!tpu.dma_semaphore, #tpu.memory_space<semaphore_mem>>
      tpu.wait_indirect_dma semaphore(%dma_wait3A_201 : memref<!tpu.dma_semaphore, #tpu.memory_space<semaphore_mem>>) src(%dma_wait3A_199 : memref<10000x128xf32, #tpu.memory_space<hbm>>) dst(%dma_wait3A_195 : memref<40x128xf32, #tpu.memory_space<vmem>>)
      %mul3A_202 = arith.constant 250 : i32
      %mul3A_203 = arith.muli %add3A, %mul3A_202 : i32
      %add3A_204 = arith.addi %mul3A_203, %add3A_151 : i32
      %mul3A_205 = arith.constant 40 : i32
      %mul3A_206 = arith.muli %add3A_204, %mul3A_205 : i32
      %mul3A_207 = arith.constant 128 : i32
      %mul3A_208 = arith.muli %mul3A_206, %mul3A_207 : i32
      %dma_wait3A_209 = arith.constant 0 : i32
      %dma_wait3A_210 = arith.constant 0 : i32
      %dma_wait3A_211 = tpu.memref_slice %arg10[%dma_wait3A_210] : memref<10240xf32, #tpu.memory_space<vmem>> -> memref<5120xf32, #tpu.memory_space<vmem>>
      %dma_wait3A_212 = tpu.memref_slice %arg3[%mul3A_208] : memref<40960000xf32, #tpu.memory_space<hbm>> -> memref<5120xf32, #tpu.memory_space<hbm>>
      %dma_wait3A_213 = tpu.memref_slice %arg13[%dma_wait3A_209] : memref<2x!tpu.dma_semaphore, #tpu.memory_space<semaphore_mem>> -> memref<1x!tpu.dma_semaphore, #tpu.memory_space<semaphore_mem>>
      %dma_wait3A_214 = tpu.memref_squeeze %dma_wait3A_213 : memref<1x!tpu.dma_semaphore, #tpu.memory_space<semaphore_mem>> -> memref<!tpu.dma_semaphore, #tpu.memory_space<semaphore_mem>>
      %dma_wait3A_215 = arith.constant 0 : i32
      %dma_wait3A_216 = tpu.memref_slice %arg10[%dma_wait3A_215] : memref<10240xf32, #tpu.memory_space<vmem>> -> memref<5120xf32, #tpu.memory_space<vmem>>
      %dma_wait3A_217 = tpu.memref_slice %arg3[%mul3A_208] : memref<40960000xf32, #tpu.memory_space<hbm>> -> memref<5120xf32, #tpu.memory_space<hbm>>
      tpu.wait_dma2 semaphore(%dma_wait3A_214 : memref<!tpu.dma_semaphore, #tpu.memory_space<semaphore_mem>>) src(%dma_wait3A_217 : memref<5120xf32, #tpu.memory_space<hbm>>) dst(%dma_wait3A_216 : memref<5120xf32, #tpu.memory_space<vmem>>)
      %scan3A_218 = arith.constant 0 : i32
      %scan3A_219 = arith.constant 0 : i32
      %scan3A_220 = arith.constant 40 : i32
      %scan3A_221 = arith.addi %scan3A_219, %scan3A_220 : i32
      %scan3A_222 = arith.constant 1 : i32
      %scan3A_223 = scf.for %scan3A_314 = %scan3A_219 to %scan3A_221 step %scan3A_222 iter_args(%scan3A_315 = %scan3A_218) -> (i32)  : i32 {
        %mul3A_316 = arith.constant 128 : i32
        %mul3A_317 = arith.muli %scan3A_314, %mul3A_316 : i32
        %add3A_318 = arith.constant 0 : i32
        %add3A_319 = arith.addi %add3A_318, %mul3A_317 : i32
        %get3A = arith.constant 0 : i32
        %get3A_320 = arith.index_cast %get3A : i32 to index
        %get3A_321 = arith.index_cast %scan3A_314 : i32 to index
        %get3A_322 = arith.constant 0 : index
        %get3A_323 = tpu.vector_load %arg9[%get3A_320, %get3A_321, %get3A_322] {strides = array<i32>} : memref<2x40x128xf32, #tpu.memory_space<vmem>>, vector<1x1x16xf32>,
        %get3A_324 = vector.shape_cast %get3A_323 : vector<1x1x16xf32> to vector<16xf32>
        %add3A_325 = arith.constant 0 : i32
        %add3A_326 = arith.addi %add3A_319, %add3A_325 : i32
        %get3A_327 = arith.index_cast %add3A_326 : i32 to index
        %get3A_328 = tpu.vector_load %arg10[%get3A_327] {strides = array<i32>} : memref<10240xf32, #tpu.memory_space<vmem>>, vector<16xf32>,
        %get3A_329 = vector.shape_cast %get3A_328 : vector<16xf32> to vector<16xf32>
        %mul3A_330 = arith.mulf %get3A_324, %get3A_329 : vector<16xf32>
        %swap3A = arith.constant 0 : i32
        %swap3A_331 = arith.index_cast %swap3A : i32 to index
        %swap3A_332 = arith.index_cast %scan3A_314 : i32 to index
        %swap3A_333 = arith.constant 0 : index
        %swap3A_334 = tpu.vector_load %arg9[%swap3A_331, %swap3A_332, %swap3A_333] {strides = array<i32>} : memref<2x40x128xf32, #tpu.memory_space<vmem>>, vector<1x1x16xf32>,
        %swap3A_335 = vector.shape_cast %swap3A_334 : vector<1x1x16xf32> to vector<16xf32>
        %swap3A_336 = vector.shape_cast %mul3A_330 : vector<16xf32> to vector<1x1x16xf32>
        tpu.vector_store %arg9[%swap3A_331, %swap3A_332, %swap3A_333], %swap3A_336 {strides = array<i32>} : memref<2x40x128xf32, #tpu.memory_space<vmem>>, vector<1x1x16xf32>,
        %get3A_337 = arith.constant 0 : i32
        %get3A_338 = arith.index_cast %get3A_337 : i32 to index
        %get3A_339 = arith.index_cast %scan3A_314 : i32 to index
        %get3A_340 = arith.constant 16 : index
        %get3A_341 = tpu.vector_load %arg9[%get3A_338, %get3A_339, %get3A_340] {strides = array<i32>} : memref<2x40x128xf32, #tpu.memory_space<vmem>>, vector<1x1x16xf32>,
        %get3A_342 = vector.shape_cast %get3A_341 : vector<1x1x16xf32> to vector<16xf32>
        %add3A_343 = arith.constant 16 : i32
        %add3A_344 = arith.addi %add3A_319, %add3A_343 : i32
        %get3A_345 = arith.index_cast %add3A_344 : i32 to index
        %get3A_346 = tpu.vector_load %arg10[%get3A_345] {strides = array<i32>} : memref<10240xf32, #tpu.memory_space<vmem>>, vector<16xf32>,
        %get3A_347 = vector.shape_cast %get3A_346 : vector<16xf32> to vector<16xf32>
        %mul3A_348 = arith.mulf %get3A_342, %get3A_347 : vector<16xf32>
        %swap3A_349 = arith.constant 0 : i32
        %swap3A_350 = arith.index_cast %swap3A_349 : i32 to index
        %swap3A_351 = arith.index_cast %scan3A_314 : i32 to index
        %swap3A_352 = arith.constant 16 : index
        %swap3A_353 = tpu.vector_load %arg9[%swap3A_350, %swap3A_351, %swap3A_352] {strides = array<i32>} : memref<2x40x128xf32, #tpu.memory_space<vmem>>, vector<1x1x16xf32>,
        %swap3A_354 = vector.shape_cast %swap3A_353 : vector<1x1x16xf32> to vector<16xf32>
        %swap3A_355 = vector.shape_cast %mul3A_348 : vector<16xf32> to vector<1x1x16xf32>
        tpu.vector_store %arg9[%swap3A_350, %swap3A_351, %swap3A_352], %swap3A_355 {strides = array<i32>} : memref<2x40x128xf32, #tpu.memory_space<vmem>>, vector<1x1x16xf32>,
        %get3A_356 = arith.constant 0 : i32
        %get3A_357 = arith.index_cast %get3A_356 : i32 to index
        %get3A_358 = arith.index_cast %scan3A_314 : i32 to index
        %get3A_359 = arith.constant 32 : index
        %get3A_360 = tpu.vector_load %arg9[%get3A_357, %get3A_358, %get3A_359] {strides = array<i32>} : memref<2x40x128xf32, #tpu.memory_space<vmem>>, vector<1x1x16xf32>,
        %get3A_361 = vector.shape_cast %get3A_360 : vector<1x1x16xf32> to vector<16xf32>
        %add3A_362 = arith.constant 32 : i32
        %add3A_363 = arith.addi %add3A_319, %add3A_362 : i32
        %get3A_364 = arith.index_cast %add3A_363 : i32 to index
        %get3A_365 = tpu.vector_load %arg10[%get3A_364] {strides = array<i32>} : memref<10240xf32, #tpu.memory_space<vmem>>, vector<16xf32>,
        %get3A_366 = vector.shape_cast %get3A_365 : vector<16xf32> to vector<16xf32>
        %mul3A_367 = arith.mulf %get3A_361, %get3A_366 : vector<16xf32>
        %swap3A_368 = arith.constant 0 : i32
        %swap3A_369 = arith.index_cast %swap3A_368 : i32 to index
        %swap3A_370 = arith.index_cast %scan3A_314 : i32 to index
        %swap3A_371 = arith.constant 32 : index
        %swap3A_372 = tpu.vector_load %arg9[%swap3A_369, %swap3A_370, %swap3A_371] {strides = array<i32>} : memref<2x40x128xf32, #tpu.memory_space<vmem>>, vector<1x1x16xf32>,
        %swap3A_373 = vector.shape_cast %swap3A_372 : vector<1x1x16xf32> to vector<16xf32>
        %swap3A_374 = vector.shape_cast %mul3A_367 : vector<16xf32> to vector<1x1x16xf32>
        tpu.vector_store %arg9[%swap3A_369, %swap3A_370, %swap3A_371], %swap3A_374 {strides = array<i32>} : memref<2x40x128xf32, #tpu.memory_space<vmem>>, vector<1x1x16xf32>,
        %get3A_375 = arith.constant 0 : i32
        %get3A_376 = arith.index_cast %get3A_375 : i32 to index
        %get3A_377 = arith.index_cast %scan3A_314 : i32 to index
        %get3A_378 = arith.constant 48 : index
        %get3A_379 = tpu.vector_load %arg9[%get3A_376, %get3A_377, %get3A_378] {strides = array<i32>} : memref<2x40x128xf32, #tpu.memory_space<vmem>>, vector<1x1x16xf32>,
        %get3A_380 = vector.shape_cast %get3A_379 : vector<1x1x16xf32> to vector<16xf32>
        %add3A_381 = arith.constant 48 : i32
        %add3A_382 = arith.addi %add3A_319, %add3A_381 : i32
        %get3A_383 = arith.index_cast %add3A_382 : i32 to index
        %get3A_384 = tpu.vector_load %arg10[%get3A_383] {strides = array<i32>} : memref<10240xf32, #tpu.memory_space<vmem>>, vector<16xf32>,
        %get3A_385 = vector.shape_cast %get3A_384 : vector<16xf32> to vector<16xf32>
        %mul3A_386 = arith.mulf %get3A_380, %get3A_385 : vector<16xf32>
        %swap3A_387 = arith.constant 0 : i32
        %swap3A_388 = arith.index_cast %swap3A_387 : i32 to index
        %swap3A_389 = arith.index_cast %scan3A_314 : i32 to index
        %swap3A_390 = arith.constant 48 : index
        %swap3A_391 = tpu.vector_load %arg9[%swap3A_388, %swap3A_389, %swap3A_390] {strides = array<i32>} : memref<2x40x128xf32, #tpu.memory_space<vmem>>, vector<1x1x16xf32>,
        %swap3A_392 = vector.shape_cast %swap3A_391 : vector<1x1x16xf32> to vector<16xf32>
        %swap3A_393 = vector.shape_cast %mul3A_386 : vector<16xf32> to vector<1x1x16xf32>
        tpu.vector_store %arg9[%swap3A_388, %swap3A_389, %swap3A_390], %swap3A_393 {strides = array<i32>} : memref<2x40x128xf32, #tpu.memory_space<vmem>>, vector<1x1x16xf32>,
        %get3A_394 = arith.constant 0 : i32
        %get3A_395 = arith.index_cast %get3A_394 : i32 to index
        %get3A_396 = arith.index_cast %scan3A_314 : i32 to index
        %get3A_397 = arith.constant 64 : index
        %get3A_398 = tpu.vector_load %arg9[%get3A_395, %get3A_396, %get3A_397] {strides = array<i32>} : memref<2x40x128xf32, #tpu.memory_space<vmem>>, vector<1x1x16xf32>,
        %get3A_399 = vector.shape_cast %get3A_398 : vector<1x1x16xf32> to vector<16xf32>
        %add3A_400 = arith.constant 64 : i32
        %add3A_401 = arith.addi %add3A_319, %add3A_400 : i32
        %get3A_402 = arith.index_cast %add3A_401 : i32 to index
        %get3A_403 = tpu.vector_load %arg10[%get3A_402] {strides = array<i32>} : memref<10240xf32, #tpu.memory_space<vmem>>, vector<16xf32>,
        %get3A_404 = vector.shape_cast %get3A_403 : vector<16xf32> to vector<16xf32>
        %mul3A_405 = arith.mulf %get3A_399, %get3A_404 : vector<16xf32>
        %swap3A_406 = arith.constant 0 : i32
        %swap3A_407 = arith.index_cast %swap3A_406 : i32 to index
        %swap3A_408 = arith.index_cast %scan3A_314 : i32 to index
        %swap3A_409 = arith.constant 64 : index
        %swap3A_410 = tpu.vector_load %arg9[%swap3A_407, %swap3A_408, %swap3A_409] {strides = array<i32>} : memref<2x40x128xf32, #tpu.memory_space<vmem>>, vector<1x1x16xf32>,
        %swap3A_411 = vector.shape_cast %swap3A_410 : vector<1x1x16xf32> to vector<16xf32>
        %swap3A_412 = vector.shape_cast %mul3A_405 : vector<16xf32> to vector<1x1x16xf32>
        tpu.vector_store %arg9[%swap3A_407, %swap3A_408, %swap3A_409], %swap3A_412 {strides = array<i32>} : memref<2x40x128xf32, #tpu.memory_space<vmem>>, vector<1x1x16xf32>,
        %get3A_413 = arith.constant 0 : i32
        %get3A_414 = arith.index_cast %get3A_413 : i32 to index
        %get3A_415 = arith.index_cast %scan3A_314 : i32 to index
        %get3A_416 = arith.constant 80 : index
        %get3A_417 = tpu.vector_load %arg9[%get3A_414, %get3A_415, %get3A_416] {strides = array<i32>} : memref<2x40x128xf32, #tpu.memory_space<vmem>>, vector<1x1x16xf32>,
        %get3A_418 = vector.shape_cast %get3A_417 : vector<1x1x16xf32> to vector<16xf32>
        %add3A_419 = arith.constant 80 : i32
        %add3A_420 = arith.addi %add3A_319, %add3A_419 : i32
        %get3A_421 = arith.index_cast %add3A_420 : i32 to index
        %get3A_422 = tpu.vector_load %arg10[%get3A_421] {strides = array<i32>} : memref<10240xf32, #tpu.memory_space<vmem>>, vector<16xf32>,
        %get3A_423 = vector.shape_cast %get3A_422 : vector<16xf32> to vector<16xf32>
        %mul3A_424 = arith.mulf %get3A_418, %get3A_423 : vector<16xf32>
        %swap3A_425 = arith.constant 0 : i32
        %swap3A_426 = arith.index_cast %swap3A_425 : i32 to index
        %swap3A_427 = arith.index_cast %scan3A_314 : i32 to index
        %swap3A_428 = arith.constant 80 : index
        %swap3A_429 = tpu.vector_load %arg9[%swap3A_426, %swap3A_427, %swap3A_428] {strides = array<i32>} : memref<2x40x128xf32, #tpu.memory_space<vmem>>, vector<1x1x16xf32>,
        %swap3A_430 = vector.shape_cast %swap3A_429 : vector<1x1x16xf32> to vector<16xf32>
        %swap3A_431 = vector.shape_cast %mul3A_424 : vector<16xf32> to vector<1x1x16xf32>
        tpu.vector_store %arg9[%swap3A_426, %swap3A_427, %swap3A_428], %swap3A_431 {strides = array<i32>} : memref<2x40x128xf32, #tpu.memory_space<vmem>>, vector<1x1x16xf32>,
        %get3A_432 = arith.constant 0 : i32
        %get3A_433 = arith.index_cast %get3A_432 : i32 to index
        %get3A_434 = arith.index_cast %scan3A_314 : i32 to index
        %get3A_435 = arith.constant 96 : index
        %get3A_436 = tpu.vector_load %arg9[%get3A_433, %get3A_434, %get3A_435] {strides = array<i32>} : memref<2x40x128xf32, #tpu.memory_space<vmem>>, vector<1x1x16xf32>,
        %get3A_437 = vector.shape_cast %get3A_436 : vector<1x1x16xf32> to vector<16xf32>
        %add3A_438 = arith.constant 96 : i32
        %add3A_439 = arith.addi %add3A_319, %add3A_438 : i32
        %get3A_440 = arith.index_cast %add3A_439 : i32 to index
        %get3A_441 = tpu.vector_load %arg10[%get3A_440] {strides = array<i32>} : memref<10240xf32, #tpu.memory_space<vmem>>, vector<16xf32>,
        %get3A_442 = vector.shape_cast %get3A_441 : vector<16xf32> to vector<16xf32>
        %mul3A_443 = arith.mulf %get3A_437, %get3A_442 : vector<16xf32>
        %swap3A_444 = arith.constant 0 : i32
        %swap3A_445 = arith.index_cast %swap3A_444 : i32 to index
        %swap3A_446 = arith.index_cast %scan3A_314 : i32 to index
        %swap3A_447 = arith.constant 96 : index
        %swap3A_448 = tpu.vector_load %arg9[%swap3A_445, %swap3A_446, %swap3A_447] {strides = array<i32>} : memref<2x40x128xf32, #tpu.memory_space<vmem>>, vector<1x1x16xf32>,
        %swap3A_449 = vector.shape_cast %swap3A_448 : vector<1x1x16xf32> to vector<16xf32>
        %swap3A_450 = vector.shape_cast %mul3A_443 : vector<16xf32> to vector<1x1x16xf32>
        tpu.vector_store %arg9[%swap3A_445, %swap3A_446, %swap3A_447], %swap3A_450 {strides = array<i32>} : memref<2x40x128xf32, #tpu.memory_space<vmem>>, vector<1x1x16xf32>,
        %get3A_451 = arith.constant 0 : i32
        %get3A_452 = arith.index_cast %get3A_451 : i32 to index
        %get3A_453 = arith.index_cast %scan3A_314 : i32 to index
        %get3A_454 = arith.constant 112 : index
        %get3A_455 = tpu.vector_load %arg9[%get3A_452, %get3A_453, %get3A_454] {strides = array<i32>} : memref<2x40x128xf32, #tpu.memory_space<vmem>>, vector<1x1x16xf32>,
        %get3A_456 = vector.shape_cast %get3A_455 : vector<1x1x16xf32> to vector<16xf32>
        %add3A_457 = arith.constant 112 : i32
        %add3A_458 = arith.addi %add3A_319, %add3A_457 : i32
        %get3A_459 = arith.index_cast %add3A_458 : i32 to index
        %get3A_460 = tpu.vector_load %arg10[%get3A_459] {strides = array<i32>} : memref<10240xf32, #tpu.memory_space<vmem>>, vector<16xf32>,
        %get3A_461 = vector.shape_cast %get3A_460 : vector<16xf32> to vector<16xf32>
        %mul3A_462 = arith.mulf %get3A_456, %get3A_461 : vector<16xf32>
        %swap3A_463 = arith.constant 0 : i32
        %swap3A_464 = arith.index_cast %swap3A_463 : i32 to index
        %swap3A_465 = arith.index_cast %scan3A_314 : i32 to index
        %swap3A_466 = arith.constant 112 : index
        %swap3A_467 = tpu.vector_load %arg9[%swap3A_464, %swap3A_465, %swap3A_466] {strides = array<i32>} : memref<2x40x128xf32, #tpu.memory_space<vmem>>, vector<1x1x16xf32>,
        %swap3A_468 = vector.shape_cast %swap3A_467 : vector<1x1x16xf32> to vector<16xf32>
        %swap3A_469 = vector.shape_cast %mul3A_462 : vector<16xf32> to vector<1x1x16xf32>
        tpu.vector_store %arg9[%swap3A_464, %swap3A_465, %swap3A_466], %swap3A_469 {strides = array<i32>} : memref<2x40x128xf32, #tpu.memory_space<vmem>>, vector<1x1x16xf32>,
        %scan3A_470 = arith.constant 0 : i32
        scf.yield %scan3A_470 : i32
      }
      %scan3A_224 = arith.constant 40 : i32
      %mul3A_225 = arith.constant 40 : i32
      %mul3A_226 = arith.muli %add3A_151, %mul3A_225 : i32
      %dma_start3A_227 = arith.constant 0 : i32
      %dma_start3A_228 = arith.constant 0 : i32
      %dma_start3A_229 = arith.constant 0 : i32
      %dma_start3A_230 = arith.constant 0 : i32
      %dma_start3A_231 = tpu.memref_slice %arg9[%dma_start3A_227, %dma_start3A_229, %dma_start3A_230] : memref<2x40x128xf32, #tpu.memory_space<vmem>> -> memref<1x40x128xf32, #tpu.memory_space<vmem>>
      %dma_start3A_232 = tpu.memref_squeeze %dma_start3A_231 : memref<1x40x128xf32, #tpu.memory_space<vmem>> -> memref<40x128xf32, #tpu.memory_space<vmem>>
      %dma_start3A_233 = tpu.memref_slice %arg8[%mul3A_226] : memref<10000xi32, #tpu.memory_space<vmem>> -> memref<40xi32, #tpu.memory_space<vmem>>
      %dma_start3A_234 = arith.constant 0 : i32
      %dma_start3A_235 = arith.constant 0 : i32
      %dma_start3A_236 = tpu.memref_slice %arg11[%dma_start3A_234, %dma_start3A_235] : memref<10000x128xf32, #tpu.memory_space<vmem_shared>> -> memref<10000x128xf32, #tpu.memory_space<vmem_shared>>
      %dma_start3A_237 = tpu.memref_slice %arg14[%dma_start3A_228] : memref<2x!tpu.dma_semaphore, #tpu.memory_space<semaphore_mem>> -> memref<1x!tpu.dma_semaphore, #tpu.memory_space<semaphore_mem>>
      %dma_start3A_238 = tpu.memref_squeeze %dma_start3A_237 : memref<1x!tpu.dma_semaphore, #tpu.memory_space<semaphore_mem>> -> memref<!tpu.dma_semaphore, #tpu.memory_space<semaphore_mem>>
      tpu.enqueue_indirect_dma source(%dma_start3A_232 : memref<40x128xf32, #tpu.memory_space<vmem>>) target(%dma_start3A_236 : memref<10000x128xf32, #tpu.memory_space<vmem_shared>>) offsets(%dma_start3A_233 : memref<40xi32, #tpu.memory_space<vmem>>) semaphore(%dma_start3A_238 : memref<!tpu.dma_semaphore, #tpu.memory_space<semaphore_mem>>) {add = true}
      %mul3A_239 = arith.constant 2 : i32
      %mul3A_240 = arith.muli %scan3A_146, %mul3A_239 : i32
      %add3A_241 = arith.constant 1 : i32
      %add3A_242 = arith.addi %mul3A_240, %add3A_241 : i32
      %sub3A = arith.constant 1 : i32
      %sub3A_243 = arith.subi %add3A_242, %sub3A : i32
      %mul3A_244 = arith.constant 40 : i32
      %mul3A_245 = arith.muli %sub3A_243, %mul3A_244 : i32
      %dma_wait3A_246 = arith.constant 0 : i32
      %dma_wait3A_247 = arith.constant 0 : i32
      %dma_wait3A_248 = arith.constant 0 : i32
      %dma_wait3A_249 = arith.constant 0 : i32
      %dma_wait3A_250 = tpu.memref_slice %arg9[%dma_wait3A_246, %dma_wait3A_248, %dma_wait3A_249] : memref<2x40x128xf32, #tpu.memory_space<vmem>> -> memref<1x40x128xf32, #tpu.memory_space<vmem>>
      %dma_wait3A_251 = tpu.memref_squeeze %dma_wait3A_250 : memref<1x40x128xf32, #tpu.memory_space<vmem>> -> memref<40x128xf32, #tpu.memory_space<vmem>>
      %dma_wait3A_252 = tpu.memref_slice %arg8[%mul3A_245] : memref<10000xi32, #tpu.memory_space<vmem>> -> memref<40xi32, #tpu.memory_space<vmem>>
      %dma_wait3A_253 = arith.constant 0 : i32
      %dma_wait3A_254 = arith.constant 0 : i32
      %dma_wait3A_255 = tpu.memref_slice %arg11[%dma_wait3A_253, %dma_wait3A_254] : memref<10000x128xf32, #tpu.memory_space<vmem_shared>> -> memref<10000x128xf32, #tpu.memory_space<vmem_shared>>
      %dma_wait3A_256 = tpu.memref_slice %arg14[%dma_wait3A_247] : memref<2x!tpu.dma_semaphore, #tpu.memory_space<semaphore_mem>> -> memref<1x!tpu.dma_semaphore, #tpu.memory_space<semaphore_mem>>
      %dma_wait3A_257 = tpu.memref_squeeze %dma_wait3A_256 : memref<1x!tpu.dma_semaphore, #tpu.memory_space<semaphore_mem>> -> memref<!tpu.dma_semaphore, #tpu.memory_space<semaphore_mem>>
      tpu.wait_indirect_dma semaphore(%dma_wait3A_257 : memref<!tpu.dma_semaphore, #tpu.memory_space<semaphore_mem>>) src(%dma_wait3A_251 : memref<40x128xf32, #tpu.memory_space<vmem>>) dst(%dma_wait3A_255 : memref<10000x128xf32, #tpu.memory_space<vmem_shared>>)
      %lt3A = arith.constant 124 : i32
      %lt3A_258 = arith.cmpi slt, %scan3A_146, %lt3A : i32
      %convert_element_type3A_259 = arith.extui %lt3A_258 : i1 to i32
      %cond3A_260 = arith.constant 0 : i32
      %cond3A_261 = arith.cmpi ne, %convert_element_type3A_259, %cond3A_260 : i32
      scf.if %cond3A_261 {
        %add3A_314 = arith.constant 1 : i32
        %add3A_315 = arith.addi %add3A_242, %add3A_314 : i32
        %mul3A_316 = arith.constant 40 : i32
        %mul3A_317 = arith.muli %add3A_315, %mul3A_316 : i32
        %dma_start3A_318 = arith.constant 0 : i32
        %dma_start3A_319 = arith.constant 0 : i32
        %dma_start3A_320 = arith.constant 0 : i32
        %dma_start3A_321 = arith.constant 0 : i32
        %dma_start3A_322 = tpu.memref_slice %arg9[%dma_start3A_318, %dma_start3A_320, %dma_start3A_321] : memref<2x40x128xf32, #tpu.memory_space<vmem>> -> memref<1x40x128xf32, #tpu.memory_space<vmem>>
        %dma_start3A_323 = tpu.memref_squeeze %dma_start3A_322 : memref<1x40x128xf32, #tpu.memory_space<vmem>> -> memref<40x128xf32, #tpu.memory_space<vmem>>
        %dma_start3A_324 = tpu.memref_slice %arg7[%mul3A_317] : memref<10000xi32, #tpu.memory_space<vmem>> -> memref<40xi32, #tpu.memory_space<vmem>>
        %dma_start3A_325 = arith.constant 0 : i32
        %dma_start3A_326 = arith.constant 0 : i32
        %dma_start3A_327 = tpu.memref_slice %arg2[%dma_start3A_325, %dma_start3A_326] : memref<10000x128xf32, #tpu.memory_space<hbm>> -> memref<10000x128xf32, #tpu.memory_space<hbm>>
        %dma_start3A_328 = tpu.memref_slice %arg12[%dma_start3A_319] : memref<2x!tpu.dma_semaphore, #tpu.memory_space<semaphore_mem>> -> memref<1x!tpu.dma_semaphore, #tpu.memory_space<semaphore_mem>>
        %dma_start3A_329 = tpu.memref_squeeze %dma_start3A_328 : memref<1x!tpu.dma_semaphore, #tpu.memory_space<semaphore_mem>> -> memref<!tpu.dma_semaphore, #tpu.memory_space<semaphore_mem>>
        tpu.enqueue_indirect_dma source(%dma_start3A_327 : memref<10000x128xf32, #tpu.memory_space<hbm>>) target(%dma_start3A_323 : memref<40x128xf32, #tpu.memory_space<vmem>>) offsets(%dma_start3A_324 : memref<40xi32, #tpu.memory_space<vmem>>) semaphore(%dma_start3A_329 : memref<!tpu.dma_semaphore, #tpu.memory_space<semaphore_mem>>)
        %mul3A_330 = arith.constant 250 : i32
        %mul3A_331 = arith.muli %add3A, %mul3A_330 : i32
        %add3A_332 = arith.addi %mul3A_331, %add3A_315 : i32
        %mul3A_333 = arith.constant 40 : i32
        %mul3A_334 = arith.muli %add3A_332, %mul3A_333 : i32
        %mul3A_335 = arith.constant 128 : i32
        %mul3A_336 = arith.muli %mul3A_334, %mul3A_335 : i32
        %dma_start3A_337 = arith.constant 0 : i32
        %dma_start3A_338 = arith.constant 0 : i32
        %dma_start3A_339 = tpu.memref_slice %arg10[%dma_start3A_338] : memref<10240xf32, #tpu.memory_space<vmem>> -> memref<5120xf32, #tpu.memory_space<vmem>>
        %dma_start3A_340 = tpu.memref_slice %arg3[%mul3A_336] : memref<40960000xf32, #tpu.memory_space<hbm>> -> memref<5120xf32, #tpu.memory_space<hbm>>
        %dma_start3A_341 = tpu.memref_slice %arg13[%dma_start3A_337] : memref<2x!tpu.dma_semaphore, #tpu.memory_space<semaphore_mem>> -> memref<1x!tpu.dma_semaphore, #tpu.memory_space<semaphore_mem>>
        %dma_start3A_342 = tpu.memref_squeeze %dma_start3A_341 : memref<1x!tpu.dma_semaphore, #tpu.memory_space<semaphore_mem>> -> memref<!tpu.dma_semaphore, #tpu.memory_space<semaphore_mem>>
        %dma_start3A_343 = arith.constant 0 : i32
        %dma_start3A_344 = tpu.memref_slice %arg10[%dma_start3A_343] : memref<10240xf32, #tpu.memory_space<vmem>> -> memref<5120xf32, #tpu.memory_space<vmem>>
        %dma_start3A_345 = tpu.memref_slice %arg3[%mul3A_336] : memref<40960000xf32, #tpu.memory_space<hbm>> -> memref<5120xf32, #tpu.memory_space<hbm>>
        tpu.enqueue_dma source(%dma_start3A_345 : memref<5120xf32, #tpu.memory_space<hbm>>) target(%dma_start3A_344 : memref<5120xf32, #tpu.memory_space<vmem>>) target_semaphore(%dma_start3A_342 : memref<!tpu.dma_semaphore, #tpu.memory_space<semaphore_mem>>)
      } else {
      }
      %mul3A_262 = arith.constant 40 : i32
      %mul3A_263 = arith.muli %add3A_242, %mul3A_262 : i32
      %dma_wait3A_264 = arith.constant 1 : i32
      %dma_wait3A_265 = arith.constant 1 : i32
      %dma_wait3A_266 = arith.constant 0 : i32
      %dma_wait3A_267 = arith.constant 0 : i32
      %dma_wait3A_268 = tpu.memref_slice %arg9[%dma_wait3A_264, %dma_wait3A_266, %dma_wait3A_267] : memref<2x40x128xf32, #tpu.memory_space<vmem>> -> memref<1x40x128xf32, #tpu.memory_space<vmem>>
      %dma_wait3A_269 = tpu.memref_squeeze %dma_wait3A_268 : memref<1x40x128xf32, #tpu.memory_space<vmem>> -> memref<40x128xf32, #tpu.memory_space<vmem>>
      %dma_wait3A_270 = tpu.memref_slice %arg7[%mul3A_263] : memref<10000xi32, #tpu.memory_space<vmem>> -> memref<40xi32, #tpu.memory_space<vmem>>
      %dma_wait3A_271 = arith.constant 0 : i32
      %dma_wait3A_272 = arith.constant 0 : i32
      %dma_wait3A_273 = tpu.memref_slice %arg2[%dma_wait3A_271, %dma_wait3A_272] : memref<10000x128xf32, #tpu.memory_space<hbm>> -> memref<10000x128xf32, #tpu.memory_space<hbm>>
      %dma_wait3A_274 = tpu.memref_slice %arg12[%dma_wait3A_265] : memref<2x!tpu.dma_semaphore, #tpu.memory_space<semaphore_mem>> -> memref<1x!tpu.dma_semaphore, #tpu.memory_space<semaphore_mem>>
      %dma_wait3A_275 = tpu.memref_squeeze %dma_wait3A_274 : memref<1x!tpu.dma_semaphore, #tpu.memory_space<semaphore_mem>> -> memref<!tpu.dma_semaphore, #tpu.memory_space<semaphore_mem>>
      tpu.wait_indirect_dma semaphore(%dma_wait3A_275 : memref<!tpu.dma_semaphore, #tpu.memory_space<semaphore_mem>>) src(%dma_wait3A_273 : memref<10000x128xf32, #tpu.memory_space<hbm>>) dst(%dma_wait3A_269 : memref<40x128xf32, #tpu.memory_space<vmem>>)
      %mul3A_276 = arith.constant 250 : i32
      %mul3A_277 = arith.muli %add3A, %mul3A_276 : i32
      %add3A_278 = arith.addi %mul3A_277, %add3A_242 : i32
      %mul3A_279 = arith.constant 40 : i32
      %mul3A_280 = arith.muli %add3A_278, %mul3A_279 : i32
      %mul3A_281 = arith.constant 128 : i32
      %mul3A_282 = arith.muli %mul3A_280, %mul3A_281 : i32
      %dma_wait3A_283 = arith.constant 1 : i32
      %dma_wait3A_284 = arith.constant 5120 : i32
      %dma_wait3A_285 = tpu.memref_slice %arg10[%dma_wait3A_284] : memref<10240xf32, #tpu.memory_space<vmem>> -> memref<5120xf32, #tpu.memory_space<vmem>>
      %dma_wait3A_286 = tpu.memref_slice %arg3[%mul3A_282] : memref<40960000xf32, #tpu.memory_space<hbm>> -> memref<5120xf32, #tpu.memory_space<hbm>>
      %dma_wait3A_287 = tpu.memref_slice %arg13[%dma_wait3A_283] : memref<2x!tpu.dma_semaphore, #tpu.memory_space<semaphore_mem>> -> memref<1x!tpu.dma_semaphore, #tpu.memory_space<semaphore_mem>>
      %dma_wait3A_288 = tpu.memref_squeeze %dma_wait3A_287 : memref<1x!tpu.dma_semaphore, #tpu.memory_space<semaphore_mem>> -> memref<!tpu.dma_semaphore, #tpu.memory_space<semaphore_mem>>
      %dma_wait3A_289 = arith.constant 5120 : i32
      %dma_wait3A_290 = tpu.memref_slice %arg10[%dma_wait3A_289] : memref<10240xf32, #tpu.memory_space<vmem>> -> memref<5120xf32, #tpu.memory_space<vmem>>
      %dma_wait3A_291 = tpu.memref_slice %arg3[%mul3A_282] : memref<40960000xf32, #tpu.memory_space<hbm>> -> memref<5120xf32, #tpu.memory_space<hbm>>
      tpu.wait_dma2 semaphore(%dma_wait3A_288 : memref<!tpu.dma_semaphore, #tpu.memory_space<semaphore_mem>>) src(%dma_wait3A_291 : memref<5120xf32, #tpu.memory_space<hbm>>) dst(%dma_wait3A_290 : memref<5120xf32, #tpu.memory_space<vmem>>)
      %scan3A_292 = arith.constant 0 : i32
      %scan3A_293 = arith.constant 0 : i32
      %scan3A_294 = arith.constant 40 : i32
      %scan3A_295 = arith.addi %scan3A_293, %scan3A_294 : i32
      %scan3A_296 = arith.constant 1 : i32
      %scan3A_297 = scf.for %scan3A_314 = %scan3A_293 to %scan3A_295 step %scan3A_296 iter_args(%scan3A_315 = %scan3A_292) -> (i32)  : i32 {
        %mul3A_316 = arith.constant 128 : i32
        %mul3A_317 = arith.muli %scan3A_314, %mul3A_316 : i32
        %add3A_318 = arith.constant 5120 : i32
        %add3A_319 = arith.addi %add3A_318, %mul3A_317 : i32
        %get3A = arith.constant 1 : i32
        %get3A_320 = arith.index_cast %get3A : i32 to index
        %get3A_321 = arith.index_cast %scan3A_314 : i32 to index
        %get3A_322 = arith.constant 0 : index
        %get3A_323 = tpu.vector_load %arg9[%get3A_320, %get3A_321, %get3A_322] {strides = array<i32>} : memref<2x40x128xf32, #tpu.memory_space<vmem>>, vector<1x1x16xf32>,
        %get3A_324 = vector.shape_cast %get3A_323 : vector<1x1x16xf32> to vector<16xf32>
        %add3A_325 = arith.constant 0 : i32
        %add3A_326 = arith.addi %add3A_319, %add3A_325 : i32
        %get3A_327 = arith.index_cast %add3A_326 : i32 to index
        %get3A_328 = tpu.vector_load %arg10[%get3A_327] {strides = array<i32>} : memref<10240xf32, #tpu.memory_space<vmem>>, vector<16xf32>,
        %get3A_329 = vector.shape_cast %get3A_328 : vector<16xf32> to vector<16xf32>
        %mul3A_330 = arith.mulf %get3A_324, %get3A_329 : vector<16xf32>
        %swap3A = arith.constant 1 : i32
        %swap3A_331 = arith.index_cast %swap3A : i32 to index
        %swap3A_332 = arith.index_cast %scan3A_314 : i32 to index
        %swap3A_333 = arith.constant 0 : index
        %swap3A_334 = tpu.vector_load %arg9[%swap3A_331, %swap3A_332, %swap3A_333] {strides = array<i32>} : memref<2x40x128xf32, #tpu.memory_space<vmem>>, vector<1x1x16xf32>,
        %swap3A_335 = vector.shape_cast %swap3A_334 : vector<1x1x16xf32> to vector<16xf32>
        %swap3A_336 = vector.shape_cast %mul3A_330 : vector<16xf32> to vector<1x1x16xf32>
        tpu.vector_store %arg9[%swap3A_331, %swap3A_332, %swap3A_333], %swap3A_336 {strides = array<i32>} : memref<2x40x128xf32, #tpu.memory_space<vmem>>, vector<1x1x16xf32>,
        %get3A_337 = arith.constant 1 : i32
        %get3A_338 = arith.index_cast %get3A_337 : i32 to index
        %get3A_339 = arith.index_cast %scan3A_314 : i32 to index
        %get3A_340 = arith.constant 16 : index
        %get3A_341 = tpu.vector_load %arg9[%get3A_338, %get3A_339, %get3A_340] {strides = array<i32>} : memref<2x40x128xf32, #tpu.memory_space<vmem>>, vector<1x1x16xf32>,
        %get3A_342 = vector.shape_cast %get3A_341 : vector<1x1x16xf32> to vector<16xf32>
        %add3A_343 = arith.constant 16 : i32
        %add3A_344 = arith.addi %add3A_319, %add3A_343 : i32
        %get3A_345 = arith.index_cast %add3A_344 : i32 to index
        %get3A_346 = tpu.vector_load %arg10[%get3A_345] {strides = array<i32>} : memref<10240xf32, #tpu.memory_space<vmem>>, vector<16xf32>,
        %get3A_347 = vector.shape_cast %get3A_346 : vector<16xf32> to vector<16xf32>
        %mul3A_348 = arith.mulf %get3A_342, %get3A_347 : vector<16xf32>
        %swap3A_349 = arith.constant 1 : i32
        %swap3A_350 = arith.index_cast %swap3A_349 : i32 to index
        %swap3A_351 = arith.index_cast %scan3A_314 : i32 to index
        %swap3A_352 = arith.constant 16 : index
        %swap3A_353 = tpu.vector_load %arg9[%swap3A_350, %swap3A_351, %swap3A_352] {strides = array<i32>} : memref<2x40x128xf32, #tpu.memory_space<vmem>>, vector<1x1x16xf32>,
        %swap3A_354 = vector.shape_cast %swap3A_353 : vector<1x1x16xf32> to vector<16xf32>
        %swap3A_355 = vector.shape_cast %mul3A_348 : vector<16xf32> to vector<1x1x16xf32>
        tpu.vector_store %arg9[%swap3A_350, %swap3A_351, %swap3A_352], %swap3A_355 {strides = array<i32>} : memref<2x40x128xf32, #tpu.memory_space<vmem>>, vector<1x1x16xf32>,
        %get3A_356 = arith.constant 1 : i32
        %get3A_357 = arith.index_cast %get3A_356 : i32 to index
        %get3A_358 = arith.index_cast %scan3A_314 : i32 to index
        %get3A_359 = arith.constant 32 : index
        %get3A_360 = tpu.vector_load %arg9[%get3A_357, %get3A_358, %get3A_359] {strides = array<i32>} : memref<2x40x128xf32, #tpu.memory_space<vmem>>, vector<1x1x16xf32>,
        %get3A_361 = vector.shape_cast %get3A_360 : vector<1x1x16xf32> to vector<16xf32>
        %add3A_362 = arith.constant 32 : i32
        %add3A_363 = arith.addi %add3A_319, %add3A_362 : i32
        %get3A_364 = arith.index_cast %add3A_363 : i32 to index
        %get3A_365 = tpu.vector_load %arg10[%get3A_364] {strides = array<i32>} : memref<10240xf32, #tpu.memory_space<vmem>>, vector<16xf32>,
        %get3A_366 = vector.shape_cast %get3A_365 : vector<16xf32> to vector<16xf32>
        %mul3A_367 = arith.mulf %get3A_361, %get3A_366 : vector<16xf32>
        %swap3A_368 = arith.constant 1 : i32
        %swap3A_369 = arith.index_cast %swap3A_368 : i32 to index
        %swap3A_370 = arith.index_cast %scan3A_314 : i32 to index
        %swap3A_371 = arith.constant 32 : index
        %swap3A_372 = tpu.vector_load %arg9[%swap3A_369, %swap3A_370, %swap3A_371] {strides = array<i32>} : memref<2x40x128xf32, #tpu.memory_space<vmem>>, vector<1x1x16xf32>,
        %swap3A_373 = vector.shape_cast %swap3A_372 : vector<1x1x16xf32> to vector<16xf32>
        %swap3A_374 = vector.shape_cast %mul3A_367 : vector<16xf32> to vector<1x1x16xf32>
        tpu.vector_store %arg9[%swap3A_369, %swap3A_370, %swap3A_371], %swap3A_374 {strides = array<i32>} : memref<2x40x128xf32, #tpu.memory_space<vmem>>, vector<1x1x16xf32>,
        %get3A_375 = arith.constant 1 : i32
        %get3A_376 = arith.index_cast %get3A_375 : i32 to index
        %get3A_377 = arith.index_cast %scan3A_314 : i32 to index
        %get3A_378 = arith.constant 48 : index
        %get3A_379 = tpu.vector_load %arg9[%get3A_376, %get3A_377, %get3A_378] {strides = array<i32>} : memref<2x40x128xf32, #tpu.memory_space<vmem>>, vector<1x1x16xf32>,
        %get3A_380 = vector.shape_cast %get3A_379 : vector<1x1x16xf32> to vector<16xf32>
        %add3A_381 = arith.constant 48 : i32
        %add3A_382 = arith.addi %add3A_319, %add3A_381 : i32
        %get3A_383 = arith.index_cast %add3A_382 : i32 to index
        %get3A_384 = tpu.vector_load %arg10[%get3A_383] {strides = array<i32>} : memref<10240xf32, #tpu.memory_space<vmem>>, vector<16xf32>,
        %get3A_385 = vector.shape_cast %get3A_384 : vector<16xf32> to vector<16xf32>
        %mul3A_386 = arith.mulf %get3A_380, %get3A_385 : vector<16xf32>
        %swap3A_387 = arith.constant 1 : i32
        %swap3A_388 = arith.index_cast %swap3A_387 : i32 to index
        %swap3A_389 = arith.index_cast %scan3A_314 : i32 to index
        %swap3A_390 = arith.constant 48 : index
        %swap3A_391 = tpu.vector_load %arg9[%swap3A_388, %swap3A_389, %swap3A_390] {strides = array<i32>} : memref<2x40x128xf32, #tpu.memory_space<vmem>>, vector<1x1x16xf32>,
        %swap3A_392 = vector.shape_cast %swap3A_391 : vector<1x1x16xf32> to vector<16xf32>
        %swap3A_393 = vector.shape_cast %mul3A_386 : vector<16xf32> to vector<1x1x16xf32>
        tpu.vector_store %arg9[%swap3A_388, %swap3A_389, %swap3A_390], %swap3A_393 {strides = array<i32>} : memref<2x40x128xf32, #tpu.memory_space<vmem>>, vector<1x1x16xf32>,
        %get3A_394 = arith.constant 1 : i32
        %get3A_395 = arith.index_cast %get3A_394 : i32 to index
        %get3A_396 = arith.index_cast %scan3A_314 : i32 to index
        %get3A_397 = arith.constant 64 : index
        %get3A_398 = tpu.vector_load %arg9[%get3A_395, %get3A_396, %get3A_397] {strides = array<i32>} : memref<2x40x128xf32, #tpu.memory_space<vmem>>, vector<1x1x16xf32>,
        %get3A_399 = vector.shape_cast %get3A_398 : vector<1x1x16xf32> to vector<16xf32>
        %add3A_400 = arith.constant 64 : i32
        %add3A_401 = arith.addi %add3A_319, %add3A_400 : i32
        %get3A_402 = arith.index_cast %add3A_401 : i32 to index
        %get3A_403 = tpu.vector_load %arg10[%get3A_402] {strides = array<i32>} : memref<10240xf32, #tpu.memory_space<vmem>>, vector<16xf32>,
        %get3A_404 = vector.shape_cast %get3A_403 : vector<16xf32> to vector<16xf32>
        %mul3A_405 = arith.mulf %get3A_399, %get3A_404 : vector<16xf32>
        %swap3A_406 = arith.constant 1 : i32
        %swap3A_407 = arith.index_cast %swap3A_406 : i32 to index
        %swap3A_408 = arith.index_cast %scan3A_314 : i32 to index
        %swap3A_409 = arith.constant 64 : index
        %swap3A_410 = tpu.vector_load %arg9[%swap3A_407, %swap3A_408, %swap3A_409] {strides = array<i32>} : memref<2x40x128xf32, #tpu.memory_space<vmem>>, vector<1x1x16xf32>,
        %swap3A_411 = vector.shape_cast %swap3A_410 : vector<1x1x16xf32> to vector<16xf32>
        %swap3A_412 = vector.shape_cast %mul3A_405 : vector<16xf32> to vector<1x1x16xf32>
        tpu.vector_store %arg9[%swap3A_407, %swap3A_408, %swap3A_409], %swap3A_412 {strides = array<i32>} : memref<2x40x128xf32, #tpu.memory_space<vmem>>, vector<1x1x16xf32>,
        %get3A_413 = arith.constant 1 : i32
        %get3A_414 = arith.index_cast %get3A_413 : i32 to index
        %get3A_415 = arith.index_cast %scan3A_314 : i32 to index
        %get3A_416 = arith.constant 80 : index
        %get3A_417 = tpu.vector_load %arg9[%get3A_414, %get3A_415, %get3A_416] {strides = array<i32>} : memref<2x40x128xf32, #tpu.memory_space<vmem>>, vector<1x1x16xf32>,
        %get3A_418 = vector.shape_cast %get3A_417 : vector<1x1x16xf32> to vector<16xf32>
        %add3A_419 = arith.constant 80 : i32
        %add3A_420 = arith.addi %add3A_319, %add3A_419 : i32
        %get3A_421 = arith.index_cast %add3A_420 : i32 to index
        %get3A_422 = tpu.vector_load %arg10[%get3A_421] {strides = array<i32>} : memref<10240xf32, #tpu.memory_space<vmem>>, vector<16xf32>,
        %get3A_423 = vector.shape_cast %get3A_422 : vector<16xf32> to vector<16xf32>
        %mul3A_424 = arith.mulf %get3A_418, %get3A_423 : vector<16xf32>
        %swap3A_425 = arith.constant 1 : i32
        %swap3A_426 = arith.index_cast %swap3A_425 : i32 to index
        %swap3A_427 = arith.index_cast %scan3A_314 : i32 to index
        %swap3A_428 = arith.constant 80 : index
        %swap3A_429 = tpu.vector_load %arg9[%swap3A_426, %swap3A_427, %swap3A_428] {strides = array<i32>} : memref<2x40x128xf32, #tpu.memory_space<vmem>>, vector<1x1x16xf32>,
        %swap3A_430 = vector.shape_cast %swap3A_429 : vector<1x1x16xf32> to vector<16xf32>
        %swap3A_431 = vector.shape_cast %mul3A_424 : vector<16xf32> to vector<1x1x16xf32>
        tpu.vector_store %arg9[%swap3A_426, %swap3A_427, %swap3A_428], %swap3A_431 {strides = array<i32>} : memref<2x40x128xf32, #tpu.memory_space<vmem>>, vector<1x1x16xf32>,
        %get3A_432 = arith.constant 1 : i32
        %get3A_433 = arith.index_cast %get3A_432 : i32 to index
        %get3A_434 = arith.index_cast %scan3A_314 : i32 to index
        %get3A_435 = arith.constant 96 : index
        %get3A_436 = tpu.vector_load %arg9[%get3A_433, %get3A_434, %get3A_435] {strides = array<i32>} : memref<2x40x128xf32, #tpu.memory_space<vmem>>, vector<1x1x16xf32>,
        %get3A_437 = vector.shape_cast %get3A_436 : vector<1x1x16xf32> to vector<16xf32>
        %add3A_438 = arith.constant 96 : i32
        %add3A_439 = arith.addi %add3A_319, %add3A_438 : i32
        %get3A_440 = arith.index_cast %add3A_439 : i32 to index
        %get3A_441 = tpu.vector_load %arg10[%get3A_440] {strides = array<i32>} : memref<10240xf32, #tpu.memory_space<vmem>>, vector<16xf32>,
        %get3A_442 = vector.shape_cast %get3A_441 : vector<16xf32> to vector<16xf32>
        %mul3A_443 = arith.mulf %get3A_437, %get3A_442 : vector<16xf32>
        %swap3A_444 = arith.constant 1 : i32
        %swap3A_445 = arith.index_cast %swap3A_444 : i32 to index
        %swap3A_446 = arith.index_cast %scan3A_314 : i32 to index
        %swap3A_447 = arith.constant 96 : index
        %swap3A_448 = tpu.vector_load %arg9[%swap3A_445, %swap3A_446, %swap3A_447] {strides = array<i32>} : memref<2x40x128xf32, #tpu.memory_space<vmem>>, vector<1x1x16xf32>,
        %swap3A_449 = vector.shape_cast %swap3A_448 : vector<1x1x16xf32> to vector<16xf32>
        %swap3A_450 = vector.shape_cast %mul3A_443 : vector<16xf32> to vector<1x1x16xf32>
        tpu.vector_store %arg9[%swap3A_445, %swap3A_446, %swap3A_447], %swap3A_450 {strides = array<i32>} : memref<2x40x128xf32, #tpu.memory_space<vmem>>, vector<1x1x16xf32>,
        %get3A_451 = arith.constant 1 : i32
        %get3A_452 = arith.index_cast %get3A_451 : i32 to index
        %get3A_453 = arith.index_cast %scan3A_314 : i32 to index
        %get3A_454 = arith.constant 112 : index
        %get3A_455 = tpu.vector_load %arg9[%get3A_452, %get3A_453, %get3A_454] {strides = array<i32>} : memref<2x40x128xf32, #tpu.memory_space<vmem>>, vector<1x1x16xf32>,
        %get3A_456 = vector.shape_cast %get3A_455 : vector<1x1x16xf32> to vector<16xf32>
        %add3A_457 = arith.constant 112 : i32
        %add3A_458 = arith.addi %add3A_319, %add3A_457 : i32
        %get3A_459 = arith.index_cast %add3A_458 : i32 to index
        %get3A_460 = tpu.vector_load %arg10[%get3A_459] {strides = array<i32>} : memref<10240xf32, #tpu.memory_space<vmem>>, vector<16xf32>,
        %get3A_461 = vector.shape_cast %get3A_460 : vector<16xf32> to vector<16xf32>
        %mul3A_462 = arith.mulf %get3A_456, %get3A_461 : vector<16xf32>
        %swap3A_463 = arith.constant 1 : i32
        %swap3A_464 = arith.index_cast %swap3A_463 : i32 to index
        %swap3A_465 = arith.index_cast %scan3A_314 : i32 to index
        %swap3A_466 = arith.constant 112 : index
        %swap3A_467 = tpu.vector_load %arg9[%swap3A_464, %swap3A_465, %swap3A_466] {strides = array<i32>} : memref<2x40x128xf32, #tpu.memory_space<vmem>>, vector<1x1x16xf32>,
        %swap3A_468 = vector.shape_cast %swap3A_467 : vector<1x1x16xf32> to vector<16xf32>
        %swap3A_469 = vector.shape_cast %mul3A_462 : vector<16xf32> to vector<1x1x16xf32>
        tpu.vector_store %arg9[%swap3A_464, %swap3A_465, %swap3A_466], %swap3A_469 {strides = array<i32>} : memref<2x40x128xf32, #tpu.memory_space<vmem>>, vector<1x1x16xf32>,
        %scan3A_470 = arith.constant 0 : i32
        scf.yield %scan3A_470 : i32
      }
      %scan3A_298 = arith.constant 40 : i32
      %mul3A_299 = arith.constant 40 : i32
      %mul3A_300 = arith.muli %add3A_242, %mul3A_299 : i32
      %dma_start3A_301 = arith.constant 1 : i32
      %dma_start3A_302 = arith.constant 1 : i32
      %dma_start3A_303 = arith.constant 0 : i32
      %dma_start3A_304 = arith.constant 0 : i32
      %dma_start3A_305 = tpu.memref_slice %arg9[%dma_start3A_301, %dma_start3A_303, %dma_start3A_304] : memref<2x40x128xf32, #tpu.memory_space<vmem>> -> memref<1x40x128xf32, #tpu.memory_space<vmem>>
      %dma_start3A_306 = tpu.memref_squeeze %dma_start3A_305 : memref<1x40x128xf32, #tpu.memory_space<vmem>> -> memref<40x128xf32, #tpu.memory_space<vmem>>
      %dma_start3A_307 = tpu.memref_slice %arg8[%mul3A_300] : memref<10000xi32, #tpu.memory_space<vmem>> -> memref<40xi32, #tpu.memory_space<vmem>>
      %dma_start3A_308 = arith.constant 0 : i32
      %dma_start3A_309 = arith.constant 0 : i32
      %dma_start3A_310 = tpu.memref_slice %arg11[%dma_start3A_308, %dma_start3A_309] : memref<10000x128xf32, #tpu.memory_space<vmem_shared>> -> memref<10000x128xf32, #tpu.memory_space<vmem_shared>>
      %dma_start3A_311 = tpu.memref_slice %arg14[%dma_start3A_302] : memref<2x!tpu.dma_semaphore, #tpu.memory_space<semaphore_mem>> -> memref<1x!tpu.dma_semaphore, #tpu.memory_space<semaphore_mem>>
      %dma_start3A_312 = tpu.memref_squeeze %dma_start3A_311 : memref<1x!tpu.dma_semaphore, #tpu.memory_space<semaphore_mem>> -> memref<!tpu.dma_semaphore, #tpu.memory_space<semaphore_mem>>
      tpu.enqueue_indirect_dma source(%dma_start3A_306 : memref<40x128xf32, #tpu.memory_space<vmem>>) target(%dma_start3A_310 : memref<10000x128xf32, #tpu.memory_space<vmem_shared>>) offsets(%dma_start3A_307 : memref<40xi32, #tpu.memory_space<vmem>>) semaphore(%dma_start3A_312 : memref<!tpu.dma_semaphore, #tpu.memory_space<semaphore_mem>>) {add = true}
      %scan3A_313 = arith.constant 0 : i32
      scf.yield %scan3A_313 : i32
    }
    %scan3A_123 = arith.constant 125 : i32
    %dma_wait3A = arith.constant 1 : i32
    %dma_wait3A_124 = arith.constant 1 : i32
    %dma_wait3A_125 = arith.constant 0 : i32
    %dma_wait3A_126 = arith.constant 0 : i32
    %dma_wait3A_127 = tpu.memref_slice %arg9[%dma_wait3A, %dma_wait3A_125, %dma_wait3A_126] : memref<2x40x128xf32, #tpu.memory_space<vmem>> -> memref<1x40x128xf32, #tpu.memory_space<vmem>>
    %dma_wait3A_128 = tpu.memref_squeeze %dma_wait3A_127 : memref<1x40x128xf32, #tpu.memory_space<vmem>> -> memref<40x128xf32, #tpu.memory_space<vmem>>
    %dma_wait3A_129 = arith.constant 9960 : i32
    %dma_wait3A_130 = tpu.memref_slice %arg8[%dma_wait3A_129] : memref<10000xi32, #tpu.memory_space<vmem>> -> memref<40xi32, #tpu.memory_space<vmem>>
    %dma_wait3A_131 = arith.constant 0 : i32
    %dma_wait3A_132 = arith.constant 0 : i32
    %dma_wait3A_133 = tpu.memref_slice %arg11[%dma_wait3A_131, %dma_wait3A_132] : memref<10000x128xf32, #tpu.memory_space<vmem_shared>> -> memref<10000x128xf32, #tpu.memory_space<vmem_shared>>
    %dma_wait3A_134 = tpu.memref_slice %arg14[%dma_wait3A_124] : memref<2x!tpu.dma_semaphore, #tpu.memory_space<semaphore_mem>> -> memref<1x!tpu.dma_semaphore, #tpu.memory_space<semaphore_mem>>
    %dma_wait3A_135 = tpu.memref_squeeze %dma_wait3A_134 : memref<1x!tpu.dma_semaphore, #tpu.memory_space<semaphore_mem>> -> memref<!tpu.dma_semaphore, #tpu.memory_space<semaphore_mem>>
    tpu.wait_indirect_dma semaphore(%dma_wait3A_135 : memref<!tpu.dma_semaphore, #tpu.memory_space<semaphore_mem>>) src(%dma_wait3A_128 : memref<40x128xf32, #tpu.memory_space<vmem>>) dst(%dma_wait3A_133 : memref<10000x128xf32, #tpu.memory_space<vmem_shared>>)
    %barrier3A_136 = arith.constant 0 : index
    tpu.barrier barrier_id(%barrier3A_136)
    %mul3A_137 = arith.constant 624 : i32
    %mul3A_138 = arith.muli %arg1, %mul3A_137 : i32
    %mul3A_139 = arith.constant 624 : i32
    %mul3A_140 = arith.muli %arg1, %mul3A_139 : i32
    "tpu.region"() ({
      %run_scoped3A_146 = tpu.sem_alloc : memref<!tpu.dma_semaphore, #tpu.memory_space<semaphore_mem>>
      %dma_start3A_147 = arith.constant 0 : i32
      %dma_start3A_148 = tpu.memref_slice %arg6[%arg0, %mul3A_140, %dma_start3A_147] : memref<2x10000x128xf32, #tpu.memory_space<hbm>> -> memref<1x624x128xf32, #tpu.memory_space<hbm>>
      %dma_start3A_149 = tpu.memref_squeeze %dma_start3A_148 : memref<1x624x128xf32, #tpu.memory_space<hbm>> -> memref<624x128xf32, #tpu.memory_space<hbm>>
      %dma_start3A_150 = arith.constant 0 : i32
      %dma_start3A_151 = tpu.memref_slice %arg11[%mul3A_138, %dma_start3A_150] : memref<10000x128xf32, #tpu.memory_space<vmem_shared>> -> memref<624x128xf32, #tpu.memory_space<vmem_shared>>
      tpu.enqueue_dma source(%dma_start3A_151 : memref<624x128xf32, #tpu.memory_space<vmem_shared>>) target(%dma_start3A_149 : memref<624x128xf32, #tpu.memory_space<hbm>>) target_semaphore(%run_scoped3A_146 : memref<!tpu.dma_semaphore, #tpu.memory_space<semaphore_mem>>)
      %dma_wait3A_152 = arith.constant 0 : i32
      %dma_wait3A_153 = tpu.memref_slice %arg6[%arg0, %mul3A_140, %dma_wait3A_152] : memref<2x10000x128xf32, #tpu.memory_space<hbm>> -> memref<1x624x128xf32, #tpu.memory_space<hbm>>
      %dma_wait3A_154 = tpu.memref_squeeze %dma_wait3A_153 : memref<1x624x128xf32, #tpu.memory_space<hbm>> -> memref<624x128xf32, #tpu.memory_space<hbm>>
      %dma_wait3A_155 = arith.constant 0 : i32
      %dma_wait3A_156 = tpu.memref_slice %arg11[%mul3A_138, %dma_wait3A_155] : memref<10000x128xf32, #tpu.memory_space<vmem_shared>> -> memref<624x128xf32, #tpu.memory_space<vmem_shared>>
      tpu.wait_dma2 semaphore(%run_scoped3A_146 : memref<!tpu.dma_semaphore, #tpu.memory_space<semaphore_mem>>) src(%dma_wait3A_156 : memref<624x128xf32, #tpu.memory_space<vmem_shared>>) dst(%dma_wait3A_154 : memref<624x128xf32, #tpu.memory_space<hbm>>)
      tpu.yield
    }) : () -> ()
    %eq3A_141 = arith.constant 15 : i32
    %eq3A_142 = arith.cmpi eq, %arg1, %eq3A_141 : i32
    %convert_element_type3A_143 = arith.extui %eq3A_142 : i1 to i32
    %cond3A_144 = arith.constant 0 : i32
    %cond3A_145 = arith.cmpi ne, %convert_element_type3A_143, %cond3A_144 : i32
    scf.if %cond3A_145 {
      "tpu.region"() ({
        %run_scoped3A_146 = tpu.sem_alloc : memref<!tpu.dma_semaphore, #tpu.memory_space<semaphore_mem>>
        %dma_start3A_147 = arith.constant 9984 : i32
        %dma_start3A_148 = arith.constant 0 : i32
        %dma_start3A_149 = tpu.memref_slice %arg6[%arg0, %dma_start3A_147, %dma_start3A_148] : memref<2x10000x128xf32, #tpu.memory_space<hbm>> -> memref<1x16x128xf32, #tpu.memory_space<hbm>>
        %dma_start3A_150 = tpu.memref_squeeze %dma_start3A_149 : memref<1x16x128xf32, #tpu.memory_space<hbm>> -> memref<16x128xf32, #tpu.memory_space<hbm>>
        %dma_start3A_151 = arith.constant 9984 : i32
        %dma_start3A_152 = arith.constant 0 : i32
        %dma_start3A_153 = tpu.memref_slice %arg11[%dma_start3A_151, %dma_start3A_152] : memref<10000x128xf32, #tpu.memory_space<vmem_shared>> -> memref<16x128xf32, #tpu.memory_space<vmem_shared>>
        tpu.enqueue_dma source(%dma_start3A_153 : memref<16x128xf32, #tpu.memory_space<vmem_shared>>) target(%dma_start3A_150 : memref<16x128xf32, #tpu.memory_space<hbm>>) target_semaphore(%run_scoped3A_146 : memref<!tpu.dma_semaphore, #tpu.memory_space<semaphore_mem>>)
        %dma_wait3A_154 = arith.constant 9984 : i32
        %dma_wait3A_155 = arith.constant 0 : i32
        %dma_wait3A_156 = tpu.memref_slice %arg6[%arg0, %dma_wait3A_154, %dma_wait3A_155] : memref<2x10000x128xf32, #tpu.memory_space<hbm>> -> memref<1x16x128xf32, #tpu.memory_space<hbm>>
        %dma_wait3A_157 = tpu.memref_squeeze %dma_wait3A_156 : memref<1x16x128xf32, #tpu.memory_space<hbm>> -> memref<16x128xf32, #tpu.memory_space<hbm>>
        %dma_wait3A_158 = arith.constant 9984 : i32
        %dma_wait3A_159 = arith.constant 0 : i32
        %dma_wait3A_160 = tpu.memref_slice %arg11[%dma_wait3A_158, %dma_wait3A_159] : memref<10000x128xf32, #tpu.memory_space<vmem_shared>> -> memref<16x128xf32, #tpu.memory_space<vmem_shared>>
        tpu.wait_dma2 semaphore(%run_scoped3A_146 : memref<!tpu.dma_semaphore, #tpu.memory_space<semaphore_mem>>) src(%dma_wait3A_160 : memref<16x128xf32, #tpu.memory_space<vmem_shared>>) dst(%dma_wait3A_157 : memref<16x128xf32, #tpu.memory_space<hbm>>)
        tpu.yield
      }) : () -> ()
    } else {
    }
    return
  }
}

module attributes {stable_mosaic.version = 14 : i64} {
  func.func @_xt_body(%arg0: i32, %arg1: memref<1000x128xf32, #tpu.memory_space<vmem>>, %arg2: memref<128x128xf32, #tpu.memory_space<vmem>>, %arg3: memref<1000x128xf32, #tpu.memory_space<vmem>>) attributes {dimension_semantics = [#tpu.dimension_semantics<arbitrary>], iteration_bounds = array<i64: 10>, scalar_prefetch = 0 : i64, scratch_operands = 0 : i64, tpu.core_type = #tpu.core_type<tc>, window_params = [{transform_indices = @transform_0, window_bounds = array<i64: 1000, 128>}, {pipeline_mode = #tpu.pipeline_mode<synchronous>, transform_indices = @transform_1, window_bounds = array<i64: 128, 128>}, {transform_indices = @transform_2, window_bounds = array<i64: 1000, 128>}]} {
    %get3A = arith.constant 0 : index
    %get3A_0 = arith.constant 0 : index
    %get3A_1 = vector.load %arg1[%get3A, %get3A_0] : memref<1000x128xf32, #tpu.memory_space<vmem>>, vector<1000x128xf32>
    %get3A_2 = arith.constant 0 : index
    %get3A_3 = arith.constant 0 : index
    %get3A_4 = vector.load %arg2[%get3A_2, %get3A_3] : memref<128x128xf32, #tpu.memory_space<vmem>>, vector<128x128xf32>
    %dot_general3A = arith.constant dense<0.000000e+00> : vector<1000x128xf32>
    %dot_general3A_5 = tpu.matmul %get3A_1, %get3A_4, %dot_general3A {dimension_numbers = #tpu.dot_dimension_numbers<[1], [0], [0], [1], [0, 0, 1, 1], [], []>, transpose_lhs_hint = false} : vector<1000x128xf32>, vector<128x128xf32>, vector<1000x128xf32> -> vector<1000x128xf32>
    %swap3A = arith.constant 0 : index
    %swap3A_6 = arith.constant 0 : index
    %swap3A_7 = vector.load %arg3[%swap3A, %swap3A_6] : memref<1000x128xf32, #tpu.memory_space<vmem>>, vector<1000x128xf32>
    tpu.vector_store %arg3[%swap3A, %swap3A_6], %dot_general3A_5 {strides = array<i32>} : memref<1000x128xf32, #tpu.memory_space<vmem>>, vector<1000x128xf32>,
    return
  }
  func.func @transform_0(%arg0: i32) -> (i32, i32) {
    %c0_i32 = arith.constant 0 : i32
    %c0_i32_0 = arith.constant 0 : i32
    return %arg0, %c0_i32 : i32, i32
  }
  func.func @transform_1(%arg0: i32) -> (i32, i32) {
    %c0_i32 = arith.constant 0 : i32
    %c0_i32_0 = arith.constant 0 : i32
    %c0_i32_1 = arith.constant 0 : i32
    return %c0_i32, %c0_i32_0 : i32, i32
  }
  func.func @transform_2(%arg0: i32) -> (i32, i32) {
    %c0_i32 = arith.constant 0 : i32
    %c0_i32_0 = arith.constant 0 : i32
    return %arg0, %c0_i32 : i32, i32
  }
}

module attributes {stable_mosaic.version = 14 : i64} {
  func.func @_ew_body(%arg0: i32, %arg1: memref<4x3200xf32, #tpu.memory_space<vmem>>, %arg2: memref<4x128xf32, #tpu.memory_space<vmem>>, %arg3: memref<1x128xf32, #tpu.memory_space<vmem>>, %arg4: memref<3200x128xf32, #tpu.memory_space<vmem>>) attributes {dimension_semantics = [#tpu.dimension_semantics<arbitrary>], iteration_bounds = array<i64: 100>, scalar_prefetch = 0 : i64, scratch_operands = 0 : i64, tpu.core_type = #tpu.core_type<tc>, window_params = [{transform_indices = @transform_0, window_bounds = array<i64: 4, 3200>}, {pipeline_mode = #tpu.pipeline_mode<synchronous>, transform_indices = @transform_1, window_bounds = array<i64: 4, 128>}, {pipeline_mode = #tpu.pipeline_mode<synchronous>, transform_indices = @transform_2, window_bounds = array<i64: 1, 128>}, {transform_indices = @transform_3, window_bounds = array<i64: 3200, 128>}]} {
    %get3A = arith.constant 0 : index
    %get3A_0 = arith.constant 0 : index
    %get3A_1 = vector.load %arg1[%get3A, %get3A_0] : memref<4x3200xf32, #tpu.memory_space<vmem>>, vector<4x3200xf32>
    %get3A_2 = arith.constant 0 : index
    %get3A_3 = arith.constant 0 : index
    %get3A_4 = vector.load %arg2[%get3A_2, %get3A_3] : memref<4x128xf32, #tpu.memory_space<vmem>>, vector<4x128xf32>
    %dot_general3A = arith.constant dense<0.000000e+00> : vector<3200x128xf32>
    %dot_general3A_5 = tpu.matmul %get3A_1, %get3A_4, %dot_general3A {dimension_numbers = #tpu.dot_dimension_numbers<[0], [0], [1], [1], [0, 1, 1, 1], [], []>, transpose_lhs_hint = false} : vector<4x3200xf32>, vector<4x128xf32>, vector<3200x128xf32> -> vector<3200x128xf32>
    %get3A_6 = arith.constant 0 : index
    %get3A_7 = arith.constant 0 : index
    %get3A_8 = vector.load %arg3[%get3A_6, %get3A_7] : memref<1x128xf32, #tpu.memory_space<vmem>>, vector<1x128xf32>
    %add3A = vector.broadcast %get3A_8 : vector<1x128xf32> to vector<3200x128xf32>
    %add3A_9 = arith.addf %dot_general3A_5, %add3A : vector<3200x128xf32>
    %logistic3A = arith.negf %add3A_9 : vector<3200x128xf32>
    %logistic3A_10 = math.exp %logistic3A : vector<3200x128xf32>
    %logistic3A_11 = arith.constant 1.000000e+00 : f32
    %logistic3A_12 = vector.broadcast %logistic3A_11 : f32 to vector<3200x128xf32>
    %logistic3A_13 = arith.addf %logistic3A_12, %logistic3A_10 : vector<3200x128xf32>
    %logistic3A_14 = arith.divf %logistic3A_12, %logistic3A_13 : vector<3200x128xf32>
    %swap3A = arith.constant 0 : index
    %swap3A_15 = arith.constant 0 : index
    %swap3A_16 = vector.load %arg4[%swap3A, %swap3A_15] : memref<3200x128xf32, #tpu.memory_space<vmem>>, vector<3200x128xf32>
    tpu.vector_store %arg4[%swap3A, %swap3A_15], %logistic3A_14 {strides = array<i32>} : memref<3200x128xf32, #tpu.memory_space<vmem>>, vector<3200x128xf32>,
    return
  }
  func.func @transform_0(%arg0: i32) -> (i32, i32) {
    %c0_i32 = arith.constant 0 : i32
    %c0_i32_0 = arith.constant 0 : i32
    return %c0_i32, %arg0 : i32, i32
  }
  func.func @transform_1(%arg0: i32) -> (i32, i32) {
    %c0_i32 = arith.constant 0 : i32
    %c0_i32_0 = arith.constant 0 : i32
    %c0_i32_1 = arith.constant 0 : i32
    return %c0_i32, %c0_i32_0 : i32, i32
  }
  func.func @transform_2(%arg0: i32) -> (i32, i32) {
    %c0_i32 = arith.constant 0 : i32
    %c0_i32_0 = arith.constant 0 : i32
    %c0_i32_1 = arith.constant 0 : i32
    return %c0_i32, %c0_i32_0 : i32, i32
  }
  func.func @transform_3(%arg0: i32) -> (i32, i32) {
    %c0_i32 = arith.constant 0 : i32
    %c0_i32_0 = arith.constant 0 : i32
    return %arg0, %c0_i32 : i32, i32
  }
}

module attributes {stable_mosaic.version = 14 : i64} {
  func.func @_combine_body(%arg0: i32, %arg1: memref<2x1000x128xf32, #tpu.memory_space<vmem>>, %arg2: memref<1x128xf32, #tpu.memory_space<vmem>>, %arg3: memref<1000x128xf32, #tpu.memory_space<vmem>>) attributes {dimension_semantics = [#tpu.dimension_semantics<arbitrary>], iteration_bounds = array<i64: 10>, scalar_prefetch = 0 : i64, scratch_operands = 0 : i64, tpu.core_type = #tpu.core_type<tc>, window_params = [{transform_indices = @transform_0, window_bounds = array<i64: 2, 1000, 128>}, {pipeline_mode = #tpu.pipeline_mode<synchronous>, transform_indices = @transform_1, window_bounds = array<i64: 1, 128>}, {transform_indices = @transform_2, window_bounds = array<i64: 1000, 128>}]} {
    %get3A = arith.constant 0 : index
    %get3A_0 = arith.constant 0 : index
    %get3A_1 = arith.constant 0 : index
    %get3A_2 = vector.load %arg1[%get3A, %get3A_0, %get3A_1] : memref<2x1000x128xf32, #tpu.memory_space<vmem>>, vector<1x1000x128xf32>
    %get3A_3 = vector.shape_cast %get3A_2 : vector<1x1000x128xf32> to vector<1000x128xf32>
    %get3A_4 = arith.constant 1 : index
    %get3A_5 = arith.constant 0 : index
    %get3A_6 = arith.constant 0 : index
    %get3A_7 = vector.load %arg1[%get3A_4, %get3A_5, %get3A_6] : memref<2x1000x128xf32, #tpu.memory_space<vmem>>, vector<1x1000x128xf32>
    %get3A_8 = vector.shape_cast %get3A_7 : vector<1x1000x128xf32> to vector<1000x128xf32>
    %add3A = arith.addf %get3A_3, %get3A_8 : vector<1000x128xf32>
    %get3A_9 = arith.constant 0 : index
    %get3A_10 = arith.constant 0 : index
    %get3A_11 = vector.load %arg2[%get3A_9, %get3A_10] : memref<1x128xf32, #tpu.memory_space<vmem>>, vector<1x128xf32>
    %add3A_12 = vector.broadcast %get3A_11 : vector<1x128xf32> to vector<1000x128xf32>
    %add3A_13 = arith.addf %add3A, %add3A_12 : vector<1000x128xf32>
    %swap3A = arith.constant 0 : index
    %swap3A_14 = arith.constant 0 : index
    %swap3A_15 = vector.load %arg3[%swap3A, %swap3A_14] : memref<1000x128xf32, #tpu.memory_space<vmem>>, vector<1000x128xf32>
    tpu.vector_store %arg3[%swap3A, %swap3A_14], %add3A_13 {strides = array<i32>} : memref<1000x128xf32, #tpu.memory_space<vmem>>, vector<1000x128xf32>,
    return
  }
  func.func @transform_0(%arg0: i32) -> (i32, i32, i32) {
    %c0_i32 = arith.constant 0 : i32
    %c0_i32_0 = arith.constant 0 : i32
    %c0_i32_1 = arith.constant 0 : i32
    return %c0_i32, %arg0, %c0_i32_0 : i32, i32, i32
  }
  func.func @transform_1(%arg0: i32) -> (i32, i32) {
    %c0_i32 = arith.constant 0 : i32
    %c0_i32_0 = arith.constant 0 : i32
    %c0_i32_1 = arith.constant 0 : i32
    return %c0_i32, %c0_i32_0 : i32, i32
  }
  func.func @transform_2(%arg0: i32) -> (i32, i32) {
    %c0_i32 = arith.constant 0 : i32
    %c0_i32_0 = arith.constant 0 : i32
    return %arg0, %c0_i32 : i32, i32
  }
}

</mosaic_0001>

<sc_bundles>
// kernel: kernel.6.cloned.1.call-start
scs
__scs_entry_jumppad:
0x0: {  	(pc) =	sbr.rel $0x88, $3  }
0x1: {  	(tag) =	ssettag $0x0;
	lr =	simm.s32 $0x1  }
0x2: {  	[smem:$0x3F9A] =	sst lr;
	_ =	strace $0xD0000000  }
0x3: {  	_ = 	snop  }
0x4: {  	_ = 	snop  }
0x5: {  	_ = 	snop  }
0x6: {  	_ = 	snop  }
0x7: {  	_ = 	snop  }
__scs_overlays_trampoline_lowered:
0x8: {  	[smem:$0x3FA9] =	sst s0  }
0x9: {  	[smem:$0x3FAA] =	sst s1  }
0xa: {  	[smem:$0x3FAB] =	sst s2  }
0xb: {  	[smem:$0x3FAC] =	sst s3  }
0xc: {  	[smem:$0x3FAD] =	sst s4  }
0xd: {  	[smem:$0x3FAE] =	sst s5  }
0xe: {  	[smem:$0x3FAF] =	sst s6  }
0xf: {  	[smem:$0x3FB0] =	sst s7  }
0x10: {  	[smem:$0x3FB1] =	sst s8  }
0x11: {  	[smem:$0x3FB2] =	sst s9;
	s0 =	simm.s32 @!p0 $0x0  }
0x12: {  	s1 =	sld [smem:$0x3F98];
	s0 =	simm.s32 @p0 $0x1  }
0x13: {  	[smem:$0x3FB3] =	sst s0;
	s0 =	simm.s32 @!p1 $0x0  }
0x14: {  	s2 =	sld [smem:$0x3F97];
	s0 =	simm.s32 @p1 $0x1  }
0x15: {  	[smem:$0x3FB4] =	sst s0;
	s0 =	simm.s32 @!p2 $0x0  }
0x16: {  	s3 =	sld [smem:$0x3FDB];
	s0 =	simm.s32 @p2 $0x1  }
0x17: {  	s4 =	simm.s32 $0x1BF5;
	[smem:$0x3FB6] =	sst s0  }
0x18: {  	s0 =	sld [smem:$0x3F99];
	_ =	swait.ge [sflag:s4], $0x0  }
0x19: {  	s7 =	sld [smem:$0x3F9A]  }
0x1a: {  	s8 =	sadd.s32 $0xFFFFE003, lr  }
0x1b: {  	s9 =	sadd.s32 $0xFFFFFEF7, lr;
	s5 =	simm.s32 $0xFFFFFFFF;
	p2 =	slt.u32 s8, $0xFFFFF086  }
0x1c: {  	p1 =	slt.u32 s9, $0xF7A;
	s5 =	simm.s32 @!p2 $0x0  }
0x1d: {  	s5 =	simm.s32 @p1 $0x1;
	p0 =	seq.s32 s7, s2  }
0x1e: {  	s7 =	smul.u32 @!p0 $0xF7A, s2;
	p2 =	seq.s32 @!p0 s5, $0x0  }
0x1f: {  	s9 =	smul.u32 $0xF7A, s1;
	s8 =	simm.s32 @!p0 $0x1BF5;
	p2 =	por !p2, p0  }
0x20: {  	[sflag:s8] =	ssyncset.s32 @!p0 $0xFFFFF086;
	s6 =	sadd.s32 @!p0 s3, s7;
	s7 =	simm.s32 @!p0 $0x108  }
0x21: {  	s3 =	sadd.s32 s3, s9;
	s6 =	sadd.s32 @!p0 $0x88, s6;
	s7 =	simm.s32 @p2 $0x1082  }
0x22: {  	[simem:s7], [sflag:s8] =	dma.local @!p0 [hbm:s6], $0xF7A  }
0x23: {  	s9 =	sor.u32 $0xD0000000, s2;
	s6 =	simm.s32 $0x108;
	_ =	swait.ge @!p0 [sflag:s8], $0x0  }
0x24: {  	s3 =	sadd.s32 $0x88, s3;
	s6 =	simm.s32 @!p1 $0x1082;
	[sflag:s4] =	ssyncset.s32 $0xFFFFF086  }
0x25: {  	[simem:s6], [sflag:s4] =	dma.local [hbm:s3], $0xF7A  }
0x26: {  	[smem:$0x3F9A] =	sst s1;
	(tag) =	ssettag s2;
	_ =	strace s9  }
0x27: {  	s1 =	sld [smem:$0x3FAA]  }
0x28: {  	s2 =	sld [smem:$0x3FAB]  }
0x29: {  	s4 =	sld [smem:$0x3FAD]  }
0x2a: {  	p0 =	seq.s32 s5, $0x0;
	s5 =	sld [smem:$0x3FAE]  }
0x2b: {  	s6 =	sld [smem:$0x3FAF]  }
0x2c: {  	s7 =	sld [smem:$0x3FB0]  }
0x2d: {  	s3 =	simm.s32 $0x108;
	s8 =	sld [smem:$0x3FB1]  }
0x2e: {  	s3 =	simm.s32 @!p0 $0x1082;
	s9 =	sld [smem:$0x3FB2]  }
0x2f: {  	lr =	sadd.s32 s0, s3;
	s0 =	sld [smem:$0x3FA9]  }
0x30: {  	s3 =	sld [smem:$0x3FAC]  }
0x31: {  	[smem:$0x3FB5] =	sst s10  }
0x32: {  	s10 =	sld [smem:$0x3FB3];
	_ =	sdelay $0x3  }
0x33: {  	p0 =	seq.s32 s10, $0x1;
	s10 =	sld [smem:$0x3FB5];
	_ =	sdelay $0x3  }
0x34: {  	[smem:$0x3FB5] =	sst s10  }
0x35: {  	s10 =	sld [smem:$0x3FB4];
	_ =	sdelay $0x3  }
0x36: {  	p1 =	seq.s32 s10, $0x1;
	s10 =	sld [smem:$0x3FB5];
	_ =	sdelay $0x3  }
0x37: {  	[smem:$0x3FB5] =	sst s10  }
0x38: {  	s10 =	sld [smem:$0x3FB6]  }
0x39: {  	_ = 	snop;
	(pc) =	sbr.ind lr, $3  }
0x3a: {  	_ = 	snop  }
0x3b: {  	_ = 	snop  }
0x3c: {  	p2 =	seq.s32 s10, $0x1;
	s10 =	sld [smem:$0x3FB5]  }
0x3d: {  	_ =	shalt  }
0x3e: {  	_ =	shalt  }
0x3f: {  	_ =	shalt  }
0x40: {  	_ =	shalt  }
0x41: {  	_ =	shalt  }
0x42: {  	_ =	shalt  }
0x43: {  	_ =	shalt  }
0x44: {  	_ =	shalt  }
0x45: {  	_ =	shalt  }
0x46: {  	_ =	shalt  }
0x47: {  	_ =	shalt  }
0x48: {  	_ =	shalt  }
0x49: {  	_ =	shalt  }
0x4a: {  	_ =	shalt  }
0x4b: {  	_ =	shalt  }
0x4c: {  	_ =	shalt  }
0x4d: {  	_ =	shalt  }
0x4e: {  	_ =	shalt  }
0x4f: {  	_ =	shalt  }
0x50: {  	_ =	shalt  }
0x51: {  	_ =	shalt  }
0x52: {  	_ =	shalt  }
0x53: {  	_ =	shalt  }
0x54: {  	_ =	shalt  }
0x55: {  	_ =	shalt  }
0x56: {  	_ =	shalt  }
0x57: {  	_ =	shalt  }
0x58: {  	_ =	shalt  }
0x59: {  	_ =	shalt  }
0x5a: {  	_ =	shalt  }
0x5b: {  	_ =	shalt  }
0x5c: {  	_ =	shalt  }
0x5d: {  	_ =	shalt  }
0x5e: {  	_ =	shalt  }
0x5f: {  	_ =	shalt  }
0x60: {  	_ =	shalt  }
0x61: {  	_ =	shalt  }
0x62: {  	_ =	shalt  }
0x63: {  	_ =	shalt  }
0x64: {  	_ =	shalt  }
0x65: {  	_ =	shalt  }
0x66: {  	_ =	shalt  }
0x67: {  	_ =	shalt  }
0x68: {  	_ =	shalt  }
0x69: {  	_ =	shalt  }
0x6a: {  	_ =	shalt  }
0x6b: {  	_ =	shalt  }
0x6c: {  	_ =	shalt  }
0x6d: {  	_ =	shalt  }
0x6e: {  	_ =	shalt  }
0x6f: {  	_ =	shalt  }
0x70: {  	_ =	shalt  }
0x71: {  	_ =	shalt  }
0x72: {  	_ =	shalt  }
0x73: {  	_ =	shalt  }
0x74: {  	_ =	shalt  }
0x75: {  	_ =	shalt  }
0x76: {  	_ =	shalt  }
0x77: {  	_ =	shalt  }
0x78: {  	_ =	shalt  }
0x79: {  	_ =	shalt  }
0x7a: {  	_ =	shalt  }
0x7b: {  	_ =	shalt  }
0x7c: {  	_ =	shalt  }
0x7d: {  	_ =	shalt  }
0x7e: {  	_ =	shalt  }
0x7f: {  	_ =	shalt  }
0x80: {  	_ =	shalt  }
0x81: {  	_ =	shalt  }
0x82: {  	_ =	shalt  }
0x83: {  	_ =	shalt  }
0x84: {  	_ =	shalt  }
0x85: {  	_ =	shalt  }
0x86: {  	_ =	shalt  }
0x87: {  	_ =	shalt  }
.Lfunc_end0:
.L_simem_size_0:
called_computation_lowered:
.L_overlay_start_0:
0x88: {  	s2 =	sld [smem:$0x3FD9]  }
0x89: {  	s3 =	sld [smem:$0x3FFE];
	_ =	sdelay $0x1  }
0x8a: {  	s1 =	srdreg.scid  }
0x8b: {  	s0 =	sand.u32 $0x1, s1  }
0x8c: {  	s17 =	sshll.u32 s0, $0xA;
	s2 =	sadd.s32 s3, s2  }
0x8d: {  	s2 =	sadd.s32 s2, s17  }
0x8e: {  	[smem:$0x3FC1] =	sst s2  }
0x8f: {  	_ = 	snop  }
0x90: {  	s2 =	sld [smem:$0x3FD0];
	(tm) =	ssettm $0x1  }
0x91: {  	s18 =	sld [smem:$0x3FFB];
	_ =	sdelay $0x3  }
0x92: {  	_ =	strace s18  }
0x93: {  	s3 =	sld [smem:$0x3FFC];
	_ =	sdelay $0x3  }
0x94: {  	_ =	strace s3  }
0x95: {  	s3 =	sld [smem:$0x3FFD];
	_ =	sdelay $0x3  }
0x96: {  	_ =	strace s3  }
0x97: {  	_ =	strace $0x8FFFFFFF  }
0x98: {  	s19 =	sld [smem:$0x3FDB];
	_ =	sdelay $0x1  }
0x99: {  	s4 =	simm.s32 $_scs_section_size  }
0x9a: {  	s5 =	simm.s32 $_size__tile_overlayer_lowered;
	s6 =	simm.s32 $_tile_overlayer_lowered  }
0x9b: {  	s22 =	simm.s32 $0x1BFF;
	s21 =	sshll.u32 s6, $0x1;
	s3 =	sadd.s32 s4, s19  }
0x9c: {  	s7 =	simm.s32 $0x0;
	s20 =	sshll.u32 s5, $0x1;
	s5 =	sadd.s32 s21, s3  }
0x9d: {  	[timem:s7], [sflag:s22] =	dma.local [hbm:s5], s20  }
0x9e: {  	_ =	swait.ge [sflag:s22], s20  }
0x9f: {  	s4 =	ssub.s32 $0x0, s20;
	[sflag:s22] =	ssyncset.done $0x0  }
0xa0: {  	[sflag:s22] =	ssyncadd.s32 s4;
	_ =	sdelay $0x1  }
0xa1: {  	s23 =	simm.s32 $0x1B8B  }
0xa2: {  	_ =	swait.ge [sflag:s23], $0x1  }
0xa3: {  	[sflag:s23] =	ssyncset.done $0x0  }
0xa4: {  	s25 =	simm.s32 $0x1B8E;
	s24 =	sld [smem:$0x3FFE];
	[sflag:s23] =	ssyncadd.s32 $0xFFFFFFFF  }
0xa5: {  	s26 =	simm.s32 $execute0_lowered;
	[smem:$0x3FD2] =	sst s25  }
0xa6: {  	s5 =	sshll.u32 s26, $0x1;
	_ =	strace $0x80000046;
	[dreg:$0x1] =	wrdreg $0xFFFFFFFF  }
0xa7: {  	s28 =	simm.s32 $_size_execute0_lowered;
	s3 =	sadd.s32 s3, s5;
	[dreg:$0x0] =	wrdreg $0x0  }
0xa8: {  	s5 =	sshll.u32 s28, $0x1;
	[dreg:$0x2] =	wrdreg s3  }
0xa9: {  	[dreg:$0x3] =	wrdreg s5  }
0xaa: {  	[dreg:$0x4] =	wrdreg $0xC0  }
0xab: {  	_ =	task [dreg:s7], $0x5FFFF  }
0xac: {  	[dreg:$0x1] =	wrdreg $0xFFFFFFFF  }
0xad: {  	[dreg:$0x0] =	wrdreg $0x60  }
0xae: {  	[dreg:$0x2] =	wrdreg s2  }
0xaf: {  	[dreg:$0x3] =	wrdreg s24  }
0xb0: {  	[dreg:$0x4] =	wrdreg $0x9F000  }
0xb1: {  	[dreg:$0x5] =	wrdreg $0x9  }
0xb2: {  	_ =	task.clear_ibuf [dreg:s7], $0x6FFFF;
	_ =	strace $0x90000046  }
0xb3: {  	s29 =	simm.s32 $0x9;
	_ =	strace $0x80000048  }
0xb4: {  	_ =	swait.ge [sflag:s29], $0x1  }
0xb5: {  	[sflag:s29] =	ssyncadd.s32 $0xFFFFFFFF  }
0xb6: {  	_ =	strace $0x90000048  }
0xb7: {  	_ =	sfence  }
0xb8: {  	s30 =	sld [smem:$0x0];
	_ =	sdelay $0x2  }
0xb9: {  	s31 =	sshll.u32 s1, $0xD;
	s1 =	sshrl.u32 s1, $0x2  }
0xba: {  	s3 =	sand.u32 $0x4000, s31;
	s1 =	sadd.s32 s1, s30  }
0xbb: {  	s0 =	sor.u32 s3, s0;
	s1 =	sshll.u32 s1, $0x11  }
0xbc: {  	s0 =	sor.u32 s1, s0  }
0xbd: {  	s0 =	sadd.s32 $0x8F2B, s0  }
0xbe: {  	[sflag:s0] =	ssyncadd.remote.s32 $0x1  }
0xbf: {  	_ =	sfence.sel $0xFFFF  }
0xc0: {  	[dreg:$0x0] =	wrdreg $0xFFFFFFFF;
	(pc) =	sbr.abs _section_cstart, $3  }
0xc1: {  	[dreg:$0x1] =	wrdreg $0xFFFFFFFF  }
0xc2: {  	_ =	task.clear_ibuf [dreg:s7], $0x2FFFF;
	_ =	strace $0x9FFFFFFF  }
0xc3: {  	(tm) =	ssettm $0x7FFFFFFF  }
tec
execute0_lowered:
.L_overlay_start_1:
0x0: {  	(tag) =	ssettag $0x1  }
0x1: {  	s0 =	srdreg.scid  }
0x2: {  	s0 =	sand.u32 $0x1, s0  }
0x3: {  	s12 =	stileid.u32;
	s4 =	sshll.u32 s0, $0x4  }
0x4: {  	s7 =	sor.u32 s12, s4  }
0x5: {  	s5 =	sshrl.u32 s7, $0x3  }
0x6: {  	s1 =	rddreg [dreg:$0x0];
	s24 =	sshll.u32 s12, $0x7;
	s6 =	smul.u32 $0x13C00, s5  }
0x7: {  	s2 =	rddreg [dreg:$0x1];
	s9 =	smul.u32 $0x4E000, s12;
	s8 =	sand.u32 $0x380, s24  }
0x8: {  	s3 =	rddreg [dreg:$0x2];
	s31 =	simm.s32 $0x4F00;
	s6 =	sor.u32 s8, s6  }
0x9: {  	s25 =	ssub.s32 $0x2, s0;
	s9 =	sshrl.u32 s9, $0x2;
	s6 =	sshrl.u32 s6, $0x3  }
0xa: {  	s4 =	simm.s32 $0x0;
	s10 =	sadd.s32 s6, s2;
	s6 =	sadd.s32 s9, s3  }
0xb: {  	s11 =	sshrl.u32 s25, $0x1;
	[smem:$0x7FF] =	sst s4;
	s9 =	sadd.s32 $0x1400, s6  }
0xc: {  	_ =	strace $0x80000047;
	s26 =	sadd.s32 $0x2800, s6;
	[dreg:$0x4] =	wrdreg s9  }
0xd: {  	s8 =	ssub.s32 s25, s11;
	s11 =	sadd.s32 $0x3C00, s6;
	[dreg:$0x5] =	wrdreg s26  }
0xe: {  	s15 =	smul.u32 $0x13800, s12;
	s13 =	sadd.s32 $0x5000, s6;
	[dreg:$0x6] =	wrdreg s11  }
0xf: {  	p0 =	sne.s32 s12, $0xF;
	s14 =	sadd.s32 $0x6400, s6;
	[dreg:$0x7] =	wrdreg s13  }
0x10: {  	s30 =	sadd.s32 $0x138000, s3;
	s16 =	sadd.s32 $0x7800, s6;
	[dreg:$0x8] =	wrdreg s14  }
0x11: {  	s0 =	smul.u32 $0x138800, s0;
	s17 =	sadd.s32 $0x8C00, s6;
	[dreg:$0x9] =	wrdreg s16  }
0x12: {  	s12 =	simm.s32 $0x3;
	s18 =	sadd.s32 $0xA000, s6;
	[dreg:$0xa] =	wrdreg s17  }
0x13: {  	s23 =	smul.u32 $0x27100, s7;
	s19 =	sadd.s32 $0xB400, s6;
	[dreg:$0xb] =	wrdreg s18  }
0x14: {  	s5 =	sadd.s32 $0x14E00, s2;
	s20 =	sadd.s32 $0xC800, s6;
	[dreg:$0xc] =	wrdreg s19  }
0x15: {  	s2 =	sadd.s32 $0x4F6E00, s2;
	s21 =	sadd.s32 $0xDC00, s6;
	[dreg:$0xd] =	wrdreg s20  }
0x16: {  	s22 =	sadd.s32 $0xF000, s6;
	s24 =	sadd.s32 $0xB000, s10;
	[dreg:$0xe] =	wrdreg s21  }
0x17: {  	s25 =	sadd.s32 $0x1200, s10;
	s28 =	sadd.s32 $0x11800, s6;
	[dreg:$0xf] =	wrdreg s22  }
0x18: {  	s29 =	sadd.s32 $0x12C00, s6;
	s10 =	simm.s32 $0x8B00;
	[dreg:$0x11] =	wrdreg s24  }
0x19: {  	s9 =	sadd.s32 s15, s0;
	s0 =	sshrl.u32 s0, $0x3;
	[dreg:$0x12] =	wrdreg s25  }
0x1a: {  	s26 =	sadd.s32 s5, s23;
	s23 =	smul.u32 $0xFA, s7;
	s25 =	smax.u32 s8, $0x1  }
0x1b: {  	s7 =	simm.s32 $0x400;
	s8 =	simm.s32 $0x28;
	s11 =	simm.s32 $0x1  }
0x1c: {  	s13 =	simm.s32 $0x5;
	s14 =	simm.s32 $0x2;
	s15 =	simm.s32 $0x4  }
0x1d: {  	s16 =	simm.s32 $0x6;
	s9 =	sshrl.u32 s9, $0x3;
	s0 =	sadd.s32 s2, s0  }
0x1e: {  	[dreg:$0x13] =	wrdreg s26;
	s26 =	sadd.s32 $0x10400, s6;
	s9 =	sadd.s32 s2, s9  }
0x1f: {  	s0 =	sadd.s32 $0x27000, s0;
	s2 =	simm.s32 $0x7;
	[dreg:$0x10] =	wrdreg s9  }
0x20: {  	v0 =	vimm.f32 $0.0e+00;
	[dreg:$0x14] =	wrdreg s0;
	s0 =	simm.s32 $0x80;
	s9 =	simm.s32 $0x6300  }
.LBB2_1:
0x21: {  	s17 =	simm.s32 $0x0;
	s18 =	simm.s32 $0x200  }
.LBB2_2:
0x22: {  	p1 =	sne.s32 s18, $0x4E00;
	[tilespmem:s17+$0x4F70] =	vst v0  }
0x23: {  	[tilespmem:s17+$0x4F00] =	vst v0  }
0x24: {  	[tilespmem:s17+$0x4F10] =	vst v0  }
.Ltmp0:
0x25: {  	[tilespmem:s17+$0x4F20] =	vst v0;
	(pc) =	sbr.rel @p1 .LBB2_2-.Ltmp0, $4  }
0x26: {  	[tilespmem:s17+$0x4F30] =	vst v0  }
0x27: {  	[tilespmem:s17+$0x4F40] =	vst v0  }
0x28: {  	[tilespmem:s17+$0x4F50] =	vst v0  }
0x29: {  	[tilespmem:s17+$0x4F60] =	vst v0;
	s17 =	sshra.s32 s18, $0x2;
	s18 =	sadd.s32 $0x200, s18  }
0x2a: {  	[tilespmem:s17+$0x4F70] =	vst v0  }
0x2b: {  	[tilespmem:s17+$0x4F00] =	vst v0  }
0x2c: {  	[tilespmem:s17+$0x4F10] =	vst v0  }
0x2d: {  	[tilespmem:s17+$0x4F20] =	vst v0  }
0x2e: {  	[tilespmem:s17+$0x4F30] =	vst v0  }
0x2f: {  	[tilespmem:s17+$0x4F40] =	vst v0  }
0x30: {  	[tilespmem:s17+$0x4F50] =	vst v0  }
0x31: {  	[tilespmem:s17+$0x4F60] =	vst v0  }
0x32: {  	[spmem:s6] =	stream.linear.scatter [tilespmem:s31], [sflag:$0x7], $0x1400, $0x38;
	[tilespmem:$0x1D780] =	vst v63  }
0x33: {  	_ =	swait.ge [sflag:s2], $0x1400  }
0x34: {  	[sflag:s2] =	ssyncset.done $0x0  }
0x35: {  	s21 =	rddreg [dreg:$0x4];
	[sflag:s2] =	ssyncadd.s32 $0xFFFFEC00  }
0x36: {  	[spmem:s21] =	stream.linear.scatter [tilespmem:s31], [sflag:$0x7], $0x1400, $0x38;
	[tilespmem:$0x1D780] =	vst v63  }
0x37: {  	_ =	swait.ge [sflag:s2], $0x1400  }
0x38: {  	[sflag:s2] =	ssyncset.done $0x0  }
0x39: {  	s22 =	rddreg [dreg:$0x5];
	[sflag:s2] =	ssyncadd.s32 $0xFFFFEC00  }
0x3a: {  	[spmem:s22] =	stream.linear.scatter [tilespmem:s31], [sflag:$0x7], $0x1400, $0x38;
	[tilespmem:$0x1D780] =	vst v63  }
0x3b: {  	_ =	swait.ge [sflag:s2], $0x1400  }
0x3c: {  	[sflag:s2] =	ssyncset.done $0x0  }
0x3d: {  	s24 =	rddreg [dreg:$0x6];
	[sflag:s2] =	ssyncadd.s32 $0xFFFFEC00  }
0x3e: {  	[spmem:s24] =	stream.linear.scatter [tilespmem:s31], [sflag:$0x7], $0x1400, $0x38;
	[tilespmem:$0x1D780] =	vst v63  }
0x3f: {  	_ =	swait.ge [sflag:s2], $0x1400  }
0x40: {  	[sflag:s2] =	ssyncset.done $0x0  }
0x41: {  	s18 =	rddreg [dreg:$0x7];
	[sflag:s2] =	ssyncadd.s32 $0xFFFFEC00  }
0x42: {  	[spmem:s18] =	stream.linear.scatter [tilespmem:s31], [sflag:$0x7], $0x1400, $0x38;
	[tilespmem:$0x1D780] =	vst v63  }
0x43: {  	_ =	swait.ge [sflag:s2], $0x1400  }
0x44: {  	[sflag:s2] =	ssyncset.done $0x0  }
0x45: {  	s19 =	rddreg [dreg:$0x8];
	[sflag:s2] =	ssyncadd.s32 $0xFFFFEC00  }
0x46: {  	[spmem:s19] =	stream.linear.scatter [tilespmem:s31], [sflag:$0x7], $0x1400, $0x38;
	[tilespmem:$0x1D780] =	vst v63  }
0x47: {  	_ =	swait.ge [sflag:s2], $0x1400  }
0x48: {  	[sflag:s2] =	ssyncset.done $0x0  }
0x49: {  	s20 =	rddreg [dreg:$0x9];
	[sflag:s2] =	ssyncadd.s32 $0xFFFFEC00  }
0x4a: {  	[spmem:s20] =	stream.linear.scatter [tilespmem:s31], [sflag:$0x7], $0x1400, $0x38;
	[tilespmem:$0x1D780] =	vst v63  }
0x4b: {  	_ =	swait.ge [sflag:s2], $0x1400  }
0x4c: {  	[sflag:s2] =	ssyncset.done $0x0  }
0x4d: {  	s21 =	rddreg [dreg:$0xa];
	[sflag:s2] =	ssyncadd.s32 $0xFFFFEC00  }
0x4e: {  	[spmem:s21] =	stream.linear.scatter [tilespmem:s31], [sflag:$0x7], $0x1400, $0x38;
	[tilespmem:$0x1D780] =	vst v63  }
0x4f: {  	_ =	swait.ge [sflag:s2], $0x1400  }
0x50: {  	[sflag:s2] =	ssyncset.done $0x0  }
0x51: {  	s22 =	rddreg [dreg:$0xb];
	[sflag:s2] =	ssyncadd.s32 $0xFFFFEC00  }
0x52: {  	[spmem:s22] =	stream.linear.scatter [tilespmem:s31], [sflag:$0x7], $0x1400, $0x38;
	[tilespmem:$0x1D780] =	vst v63  }
0x53: {  	_ =	swait.ge [sflag:s2], $0x1400  }
0x54: {  	[sflag:s2] =	ssyncset.done $0x0  }
0x55: {  	s24 =	rddreg [dreg:$0xc];
	[sflag:s2] =	ssyncadd.s32 $0xFFFFEC00  }
0x56: {  	[spmem:s24] =	stream.linear.scatter [tilespmem:s31], [sflag:$0x7], $0x1400, $0x38;
	[tilespmem:$0x1D780] =	vst v63  }
0x57: {  	_ =	swait.ge [sflag:s2], $0x1400  }
0x58: {  	[sflag:s2] =	ssyncset.done $0x0  }
0x59: {  	s18 =	rddreg [dreg:$0xd];
	[sflag:s2] =	ssyncadd.s32 $0xFFFFEC00  }
0x5a: {  	[spmem:s18] =	stream.linear.scatter [tilespmem:s31], [sflag:$0x7], $0x1400, $0x38;
	[tilespmem:$0x1D780] =	vst v63  }
0x5b: {  	_ =	swait.ge [sflag:s2], $0x1400  }
0x5c: {  	[sflag:s2] =	ssyncset.done $0x0  }
0x5d: {  	s19 =	rddreg [dreg:$0xe];
	[sflag:s2] =	ssyncadd.s32 $0xFFFFEC00  }
0x5e: {  	[spmem:s19] =	stream.linear.scatter [tilespmem:s31], [sflag:$0x7], $0x1400, $0x38;
	[tilespmem:$0x1D780] =	vst v63  }
0x5f: {  	_ =	swait.ge [sflag:s2], $0x1400  }
0x60: {  	[sflag:s2] =	ssyncset.done $0x0  }
0x61: {  	s20 =	rddreg [dreg:$0xf];
	[sflag:s2] =	ssyncadd.s32 $0xFFFFEC00  }
0x62: {  	[spmem:s20] =	stream.linear.scatter [tilespmem:s31], [sflag:$0x7], $0x1400, $0x38;
	[tilespmem:$0x1D780] =	vst v63  }
0x63: {  	_ =	swait.ge [sflag:s2], $0x1400  }
0x64: {  	[sflag:s2] =	ssyncset.done $0x0  }
0x65: {  	[sflag:s2] =	ssyncadd.s32 $0xFFFFEC00  }
0x66: {  	[spmem:s26] =	stream.linear.scatter [tilespmem:s31], [sflag:$0x7], $0x1400, $0x38;
	[tilespmem:$0x1D780] =	vst v63  }
0x67: {  	_ =	swait.ge [sflag:s2], $0x1400  }
0x68: {  	[sflag:s2] =	ssyncset.done $0x0  }
0x69: {  	[sflag:s2] =	ssyncadd.s32 $0xFFFFEC00  }
0x6a: {  	[spmem:s28] =	stream.linear.scatter [tilespmem:s31], [sflag:$0x7], $0x1400, $0x38;
	[tilespmem:$0x1D780] =	vst v63  }
0x6b: {  	_ =	swait.ge [sflag:s2], $0x1400  }
0x6c: {  	[sflag:s2] =	ssyncset.done $0x0  }
0x6d: {  	[sflag:s2] =	ssyncadd.s32 $0xFFFFEC00  }
0x6e: {  	[spmem:s29] =	stream.linear.scatter [tilespmem:s31], [sflag:$0x7], $0xC00, $0x38;
	[tilespmem:$0x1D780] =	vst v63  }
0x6f: {  	_ =	swait.ge [sflag:s2], $0xC00  }
0x70: {  	[sflag:s2] =	ssyncset.done $0x0  }
0x71: {  	s17 =	simm.s32 @!p0 $0x4F00;
	[sflag:s2] =	ssyncadd.s32 $0xFFFFF400  }
0x72: {  	[spmem:s30] =	stream.linear.scatter @!p0 [tilespmem:s17], [sflag:$0x7], $0x800, $0x38;
	[tilespmem:$0x1D780] =	vst v63  }
0x73: {  	s17 =	simm.s32 @!p0 $0x7  }
0x74: {  	_ =	swait.ge @!p0 [sflag:s17], $0x800  }
0x75: {  	[sflag:s17] =	ssyncset.done @!p0 $0x0  }
0x76: {  	s18 =	rddreg [dreg:$0x11];
	[sflag:s17] =	ssyncadd.s32 @!p0 $0xFFFFF800;
	s17 =	simm.s32 $0x0  }
0x77: {  	[tilespmem:s17], [sflag:$0x7] =	stream.strided.gather [hbm4b:s18+s0], $0x2780, s7, s0, $0x38;
	[tilespmem:$0x1D780] =	vst v63  }
0x78: {  	_ =	swait.ge [sflag:s2], $0x2780  }
0x79: {  	[sflag:s2] =	ssyncset.done $0x0  }
0x7a: {  	s19 =	simm.s32 $0x2780;
	s21 =	rddreg [dreg:$0x12];
	[sflag:s2] =	ssyncadd.s32 $0xFFFFD880  }
0x7b: {  	[tilespmem:s19], [sflag:$0x7] =	stream.strided.gather [hbm4b:s21+s0], $0x2780, s7, s0, $0x38;
	[tilespmem:$0x1D780] =	vst v63  }
0x7c: {  	_ =	swait.ge [sflag:s2], $0x2780  }
0x7d: {  	[sflag:s2] =	ssyncset.done $0x0  }
0x7e: {  	[sflag:s2] =	ssyncadd.s32 $0xFFFFD880  }
0x7f: {  	[bflag:$0x0] =	sbarrier.arrive $0xFFFF  }
0x80: {  	[tilespmem:s31], [sflag:$0x1] =	stream.indirect.gather [hbm4b:s1+s8], $0x80, s17, s8, $0xb8;
	[tilespmem:$0x1D780] =	vst v63  }
0x81: {  	s24 =	simm.s32 $0x7700;
	s18 =	simm.s32 $0x0;
	s22 =	rddreg [dreg:$0x13]  }
0x82: {  	[tilespmem:s24], [sflag:$0x3] =	stream.linear.gather [hbm4b:s22+s17], $0x1400, $0x38;
	[tilespmem:$0x1D780] =	vst v63  }
.LBB2_4:
0x83: {  	p1 =	seq.s32 s18, $0x0  }
0x84: {  	s20 =	sshll.u32 s18, $0x1;
	s21 =	simm.s32 @!p1 $0x6  }
0x85: {  	s22 =	sor.u32 $0x1, s20;
	_ =	swait.ge @!p1 [sflag:s21], $0x1400  }
0x86: {  	s19 =	smul.u32 $0x28, s22;
	s22 =	sadd.s32 s23, s22;
	[sflag:s21] =	ssyncset.done @!p1 $0x0  }
0x87: {  	s24 =	smul.u32 $0x280, s22;
	[sflag:s21] =	ssyncadd.s32 @!p1 $0xFFFFEC00  }
0x88: {  	[tilespmem:s9], [sflag:$0x2] =	stream.indirect.gather [hbm4b:s1+s8], $0x80, s19, s8, $0xb8;
	[tilespmem:$0x1D780] =	vst v63  }
0x89: {  	s21 =	sadd.s32 s5, s24  }
0x8a: {  	[tilespmem:s10], [sflag:$0x4] =	stream.linear.gather [hbm4b:s21+s17], $0x1400, $0x38;
	[tilespmem:$0x1D780] =	vst v63  }
0x8b: {  	_ =	swait.ge [sflag:s11], $0x1400  }
0x8c: {  	[sflag:s11] =	ssyncset.done $0x0  }
0x8d: {  	[sflag:s11] =	ssyncadd.s32 $0xFFFFEC00  }
0x8e: {  	_ =	swait.ge [sflag:s12], $0x1400  }
0x8f: {  	[sflag:s12] =	ssyncset.done $0x0  }
0x90: {  	s21 =	simm.s32 $0x0;
	[sflag:s12] =	ssyncadd.s32 $0xFFFFEC00  }
0x91: {  	v8 =	vld [tilespmem:s21+$0x7700]  }
0x92: {  	v12 =	vld [tilespmem:s21+$0x7710]  }
0x93: {  	v6 =	vld [tilespmem:s21+$0x7720]  }
0x94: {  	v5 =	vld [tilespmem:s21+$0x7730]  }
0x95: {  	v4 =	vld [tilespmem:s21+$0x7740]  }
0x96: {  	v3 =	vld [tilespmem:s21+$0x7750]  }
0x97: {  	v2 =	vld [tilespmem:s21+$0x7760]  }
0x98: {  	v1 =	vld [tilespmem:s21+$0x7770]  }
0x99: {  	v13 =	vld [tilespmem:s21+$0x4F00]  }
0x9a: {  	v14 =	vld [tilespmem:s21+$0x4F10]  }
0x9b: {  	v11 =	vld [tilespmem:s21+$0x4F20]  }
0x9c: {  	v10 =	vld [tilespmem:s21+$0x4F30]  }
0x9d: {  	v9 =	vld [tilespmem:s21+$0x4F40]  }
0x9e: {  	v7 =	vld [tilespmem:s21+$0x4F50];
	v13 =	vmul.f32 v8, v13  }
0x9f: {  	s22 =	simm.s32 $0x200;
	v12 =	vmul.f32 v12, v14;
	v8 =	vld [tilespmem:s21+$0x4F60]  }
.LBB2_5:
0xa0: {  	s24 =	sshra.s32 s22, $0x2;
	p1 =	sne.s32 s22, $0x4E00;
	[tilespmem:s21+$0x4F00] =	vst v13;
	v6 =	vmul.f32 v6, v11;
	v11 =	vld [tilespmem:s21+$0x4F70]  }
0xa1: {  	v13 =	vld [tilespmem:s24+$0x7700];
	[tilespmem:s21+$0x4F10] =	vst v12;
	v5 =	vmul.f32 v5, v10  }
0xa2: {  	v12 =	vld [tilespmem:s24+$0x7710];
	[tilespmem:s21+$0x4F20] =	vst v6;
	v4 =	vmul.f32 v4, v9  }
0xa3: {  	v6 =	vld [tilespmem:s24+$0x7720];
	[tilespmem:s21+$0x4F30] =	vst v5;
	v3 =	vmul.f32 v3, v7  }
0xa4: {  	v5 =	vld [tilespmem:s24+$0x7730];
	[tilespmem:s21+$0x4F40] =	vst v4;
	v2 =	vmul.f32 v2, v8  }
0xa5: {  	v4 =	vld [tilespmem:s24+$0x7740];
	[tilespmem:s21+$0x4F50] =	vst v3;
	v1 =	vmul.f32 v1, v11  }
0xa6: {  	v3 =	vld [tilespmem:s24+$0x7750];
	[tilespmem:s21+$0x4F60] =	vst v2  }
0xa7: {  	v2 =	vld [tilespmem:s24+$0x7760];
	[tilespmem:s21+$0x4F70] =	vst v1;
	s21 =	smov.u32 s24  }
0xa8: {  	v1 =	vld [tilespmem:s21+$0x7770]  }
0xa9: {  	v7 =	vld [tilespmem:s21+$0x4F00]  }
0xaa: {  	v8 =	vld [tilespmem:s21+$0x4F10]  }
.Ltmp1:
0xab: {  	v11 =	vld [tilespmem:s21+$0x4F20];
	(pc) =	sbr.rel @p1 .LBB2_5-.Ltmp1, $4  }
0xac: {  	v10 =	vld [tilespmem:s21+$0x4F30]  }
0xad: {  	v9 =	vld [tilespmem:s21+$0x4F40]  }
0xae: {  	v13 =	vmul.f32 v13, v7;
	v7 =	vld [tilespmem:s21+$0x4F50]  }
0xaf: {  	s22 =	sadd.s32 $0x200, s22;
	v12 =	vmul.f32 v12, v8;
	v8 =	vld [tilespmem:s21+$0x4F60]  }
0xb0: {  	[tilespmem:s21+$0x4F00] =	vst v13;
	v6 =	vmul.f32 v6, v11;
	v11 =	vld [tilespmem:s21+$0x4F70]  }
0xb1: {  	[tilespmem:s21+$0x4F10] =	vst v12;
	v5 =	vmul.f32 v5, v10  }
0xb2: {  	[tilespmem:s21+$0x4F20] =	vst v6;
	v4 =	vmul.f32 v4, v9  }
0xb3: {  	[tilespmem:s21+$0x4F30] =	vst v5;
	v3 =	vmul.f32 v3, v7  }
0xb4: {  	s22 =	smul.u32 $0x140, s18;
	[tilespmem:s21+$0x4F40] =	vst v4;
	v2 =	vmul.f32 v2, v8  }
0xb5: {  	[tilespmem:s21+$0x4F50] =	vst v3;
	v1 =	vmul.f32 v1, v11  }
0xb6: {  	p1 =	seq.s32 s18, $0x7C;
	s22 =	sshra.s32 s22, $0x2;
	[tilespmem:s21+$0x4F60] =	vst v2  }
0xb7: {  	s20 =	sadd.s32 @!p1 $0x2, s20;
	s24 =	sadd.s32 $0x2780, s22;
	[tilespmem:s21+$0x4F70] =	vst v1  }
0xb8: {  	[spmem:s3] =	stream.indirect.scatter.add.f32 [tilespmem:s31], [sflag:$0x5], $0x80, s24, s8, $0xb8;
	[tilespmem:$0x1D780] =	vst v63  }
0xb9: {  	s22 =	simm.s32 @!p1 $0x28;
	s21 =	smul.u32 @!p1 $0xA0, s20;
	_ =	swait.ge [sflag:s13], $0x1400  }
0xba: {  	s20 =	sadd.s32 @!p1 s23, s20;
	s24 =	simm.s32 @!p1 $0x4F00;
	[sflag:s13] =	ssyncset.done $0x0  }
0xbb: {  	s20 =	smul.u32 @!p1 $0x280, s20;
	s21 =	sshra.s32 @!p1 s21, $0x2;
	[sflag:s13] =	ssyncadd.s32 $0xFFFFEC00  }
0xbc: {  	[tilespmem:s24], [sflag:$0x1] =	stream.indirect.gather @!p1 [hbm4b:s1+s22], $0x80, s21, s22, $0xb8;
	[tilespmem:$0x1D780] =	vst v63  }
0xbd: {  	s20 =	sadd.s32 @!p1 s5, s20;
	s21 =	simm.s32 @!p1 $0x0;
	s22 =	simm.s32 @!p1 $0x7700  }
0xbe: {  	[tilespmem:s22], [sflag:$0x3] =	stream.linear.gather @!p1 [hbm4b:s20+s21], $0x1400, $0x38;
	[tilespmem:$0x1D780] =	vst v63  }
0xbf: {  	_ =	swait.ge [sflag:s14], $0x1400  }
0xc0: {  	[sflag:s14] =	ssyncset.done $0x0  }
0xc1: {  	[sflag:s14] =	ssyncadd.s32 $0xFFFFEC00  }
0xc2: {  	_ =	swait.ge [sflag:s15], $0x1400  }
0xc3: {  	[sflag:s15] =	ssyncset.done $0x0  }
0xc4: {  	s20 =	simm.s32 $0x0;
	[sflag:s15] =	ssyncadd.s32 $0xFFFFEC00  }
0xc5: {  	v8 =	vld [tilespmem:s20+$0x8B00]  }
0xc6: {  	v12 =	vld [tilespmem:s20+$0x8B10]  }
0xc7: {  	v6 =	vld [tilespmem:s20+$0x8B20]  }
0xc8: {  	v5 =	vld [tilespmem:s20+$0x8B30]  }
0xc9: {  	v4 =	vld [tilespmem:s20+$0x8B40]  }
0xca: {  	v3 =	vld [tilespmem:s20+$0x8B50]  }
0xcb: {  	v2 =	vld [tilespmem:s20+$0x8B60]  }
0xcc: {  	v1 =	vld [tilespmem:s20+$0x8B70]  }
0xcd: {  	v13 =	vld [tilespmem:s20+$0x6300]  }
0xce: {  	v14 =	vld [tilespmem:s20+$0x6310]  }
0xcf: {  	v11 =	vld [tilespmem:s20+$0x6320]  }
0xd0: {  	v10 =	vld [tilespmem:s20+$0x6330]  }
0xd1: {  	v9 =	vld [tilespmem:s20+$0x6340]  }
0xd2: {  	v7 =	vld [tilespmem:s20+$0x6350];
	v13 =	vmul.f32 v8, v13  }
0xd3: {  	s21 =	simm.s32 $0x200;
	v12 =	vmul.f32 v12, v14;
	v8 =	vld [tilespmem:s20+$0x6360]  }
.LBB2_7:
0xd4: {  	s22 =	sshra.s32 s21, $0x2;
	p1 =	sne.s32 s21, $0x4E00;
	[tilespmem:s20+$0x6300] =	vst v13;
	v6 =	vmul.f32 v6, v11;
	v11 =	vld [tilespmem:s20+$0x6370]  }
0xd5: {  	v13 =	vld [tilespmem:s22+$0x8B00];
	[tilespmem:s20+$0x6310] =	vst v12;
	v5 =	vmul.f32 v5, v10  }
0xd6: {  	v12 =	vld [tilespmem:s22+$0x8B10];
	[tilespmem:s20+$0x6320] =	vst v6;
	v4 =	vmul.f32 v4, v9  }
0xd7: {  	v6 =	vld [tilespmem:s22+$0x8B20];
	[tilespmem:s20+$0x6330] =	vst v5;
	v3 =	vmul.f32 v3, v7  }
0xd8: {  	v5 =	vld [tilespmem:s22+$0x8B30];
	[tilespmem:s20+$0x6340] =	vst v4;
	v2 =	vmul.f32 v2, v8  }
0xd9: {  	v4 =	vld [tilespmem:s22+$0x8B40];
	[tilespmem:s20+$0x6350] =	vst v3;
	v1 =	vmul.f32 v1, v11  }
0xda: {  	v3 =	vld [tilespmem:s22+$0x8B50];
	[tilespmem:s20+$0x6360] =	vst v2  }
0xdb: {  	v2 =	vld [tilespmem:s22+$0x8B60];
	[tilespmem:s20+$0x6370] =	vst v1;
	s20 =	smov.u32 s22  }
0xdc: {  	v1 =	vld [tilespmem:s20+$0x8B70]  }
0xdd: {  	v7 =	vld [tilespmem:s20+$0x6300]  }
0xde: {  	v8 =	vld [tilespmem:s20+$0x6310]  }
.Ltmp2:
0xdf: {  	v11 =	vld [tilespmem:s20+$0x6320];
	(pc) =	sbr.rel @p1 .LBB2_7-.Ltmp2, $4  }
0xe0: {  	v10 =	vld [tilespmem:s20+$0x6330]  }
0xe1: {  	v9 =	vld [tilespmem:s20+$0x6340]  }
0xe2: {  	v13 =	vmul.f32 v13, v7;
	v7 =	vld [tilespmem:s20+$0x6350]  }
0xe3: {  	s21 =	sadd.s32 $0x200, s21;
	v12 =	vmul.f32 v12, v8;
	v8 =	vld [tilespmem:s20+$0x6360]  }
0xe4: {  	[tilespmem:s20+$0x6300] =	vst v13;
	v6 =	vmul.f32 v6, v11;
	v63 =	vld [tilespmem:s20+$0x6370]  }
0xe5: {  	[tilespmem:s20+$0x6310] =	vst v12;
	v5 =	vmul.f32 v5, v10  }
0xe6: {  	s18 =	sadd.s32 $0x1, s18;
	[tilespmem:s20+$0x6320] =	vst v6;
	v4 =	vmul.f32 v4, v9  }
0xe7: {  	p1 =	sne.s32 s18, $0x7D;
	[tilespmem:s20+$0x6330] =	vst v5;
	v3 =	vmul.f32 v3, v7  }
.Ltmp3:
0xe8: {  	[tilespmem:s20+$0x6340] =	vst v4;
	v2 =	vmul.f32 v2, v8;
	(pc) =	sbr.rel @p1 .LBB2_4-.Ltmp3, $4  }
0xe9: {  	[tilespmem:s20+$0x6350] =	vst v3;
	v1 =	vmul.f32 v1, v63  }
0xea: {  	[tilespmem:s20+$0x6360] =	vst v2  }
0xeb: {  	s19 =	sadd.s32 $0x2780, s19;
	[tilespmem:s20+$0x6370] =	vst v1  }
0xec: {  	[spmem:s3] =	stream.indirect.scatter.add.f32 [tilespmem:s9], [sflag:$0x6], $0x80, s19, s8, $0xb8;
	[tilespmem:$0x1D780] =	vst v63  }
0xed: {  	_ =	swait.ge [sflag:s16], $0x1400  }
0xee: {  	[sflag:s16] =	ssyncset.done $0x0  }
0xef: {  	s17 =	stileid.u32;
	[sflag:s16] =	ssyncadd.s32 $0xFFFFEC00  }
0xf0: {  	s17 =	sshll.u32 s17, $0x6;
	[bflag:$0x0] =	sbarrier.arrive $0xFFFF  }
0xf1: {  	s18 =	sshrl.u32 s6, $0x3;
	s17 =	sor.u32 $0x1C07, s17;
	s19 =	rddreg [dreg:$0x10]  }
0xf2: {  	[hbm:s19], [sflag:s17] =	dma.local [spmem:s18], $0x2700  }
0xf3: {  	s4 =	sadd.s32 $0x1, s4;
	_ =	swait.ge [sflag:s2], $0x2700  }
0xf4: {  	p1 =	sne.s32 s4, s25;
	[sflag:s2] =	ssyncset.done $0x0  }
0xf5: {  	s18 =	sshrl.u32 @!p0 s30, $0x3;
	s19 =	rddreg [dreg:$0x14];
	[sflag:s2] =	ssyncadd.s32 $0xFFFFD900  }
0xf6: {  	[hbm:s19], [sflag:s17] =	dma.local @!p0 [spmem:s18], $0x100  }
.Ltmp4:
0xf7: {  	_ = 	snop;
	(pc) =	sbr.rel @p1 .LBB2_1-.Ltmp4, $4  }
0xf8: {  	s17 =	simm.s32 @!p0 $0x7  }
0xf9: {  	_ =	swait.ge @!p0 [sflag:s17], $0x100  }
0xfa: {  	[sflag:s17] =	ssyncset.done @!p0 $0x0  }
0xfb: {  	[sflag:s17] =	ssyncadd.s32 @!p0 $0xFFFFFF00  }
0xfc: {  	_ =	sfence.sel $0x180000  }
0xfd: {  	[bflag:$0x0] =	sbarrier.arrive $0xFFFF  }
0xfe: {  	_ =	strace $0x90000047  }
0xff: {  	s0 =	stileid.u32;
	[bflag:$0x2] =	sbarrier.arrive $0xFFFF  }
0x100: {  	p0 =	sne.s32 s0, $0x0;
	s0 =	rddreg [dreg:$0x3]  }
0x101: {  	s0 =	sadd.s32 @!p0 $0x100000, s0  }
0x102: {  	[sflag:s0] =	ssyncadd.tile.s32 @!p0 $0x1;
	_ =	shalt  }
.Lfunc_end2:
_tile_overlayer_lowered:
.L_overlay_start_2:
0x103: {  	(tag) =	ssettag $0x2  }
0x104: {  	s0 =	rddreg [dreg:$0x0];
	s2 =	stileid.u32  }
0x105: {  	s1 =	rddreg [dreg:$0x1];
	p0 =	sne.s32 s2, $0x0  }
0x106: {  	s3 =	rddreg [dreg:$0x2];
	[bflag:$0x3] =	sbarrier.arrive $0xFFFF;
	s2 =	simm.s32 @!p0 $0x1C07  }
0x107: {  	[timem:s3], [sflag:s2] =	dma.local @!p0 [hbm:s0], s1  }
0x108: {  	s0 =	simm.s32 @!p0 $0x7  }
0x109: {  	_ =	swait.ge @!p0 [sflag:s0], s1  }
0x10a: {  	s1 =	ssub.s32 @!p0 $0x0, s1;
	[sflag:s0] =	ssyncset.done @!p0 $0x0  }
0x10b: {  	[sflag:s0] =	ssyncadd.s32 @!p0 s1  }
0x10c: {  	[bflag:$0x3] =	sbarrier.arrive $0xFFFF  }
0x10d: {  	_ =	shalt  }

</sc_bundles>
